<compile_context>
chip_gen: v7x
topology: tpu7x:2x2x1
jax: 0.10.2.dev20260603
libtpu: 0.0.44.dev20260713+nightly
codegen_flags: <defaults>
</compile_context>

<pallas_src>
import jax
import jax.numpy as jnp
from jax import lax
from jax.experimental import pallas as pl
from jax.experimental.pallas import tpu as pltpu
from jax.experimental.pallas import tpu_sc as plsc

L = 16
R, C = 64, 32768
K = 3
NC, NS = 2, 16
NW = NC * NS
RSC = NW
RTC = R - RSC
ACC = 4
TCB = 8192

_NEG = float("-inf")


def _insert(t0, t1, t2, v):
    lo = jnp.minimum(t0, v)
    t0 = jnp.maximum(t0, v)
    lo2 = jnp.minimum(t1, lo)
    t1 = jnp.maximum(t1, lo)
    t2 = jnp.maximum(t2, lo2)
    return t0, t1, t2


def _sc_body(x_hbm, out_hbm, xv, resv, s0, s1, s2, s3):
    cid = lax.axis_index("c")
    sid = lax.axis_index("s")
    wid = sid * NC + cid
    sems = [s0, s1, s2, s3]
    nseg = len(sems)
    seg = C // nseg
    copies = [
        pltpu.async_copy(x_hbm.at[wid, pl.ds(h * seg, seg)],
                         xv.at[pl.ds(h * seg, seg)], sems[h])
        for h in range(nseg)]
    lane = lax.iota(jnp.int32, L)
    full = jnp.full((L,), _NEG, jnp.float32)
    acc = [(full, full, full)] * ACC
    for h in range(nseg):
        copies[h].wait()

        def step(i, carry, _h=h):
            acc = list(carry)
            for a in range(ACC):
                off = _h * seg + (i * ACC + a) * L
                acc[a] = _insert(*acc[a], xv[pl.ds(off, L)])
            return tuple(acc)

        acc = list(lax.fori_loop(0, seg // (L * ACC), step, tuple(acc)))

    t0, t1, t2 = acc[0]
    for a in range(1, ACC):
        for v in acc[a]:
            t0, t1, t2 = _insert(t0, t1, t2, v)

    def pop(t0, t1, t2):
        m = jnp.max(t0)
        j = plsc.all_reduce_ffs(t0 == m)
        sel = lane == j
        return (m, jnp.where(sel, t1, t0), jnp.where(sel, t2, t1),
                jnp.where(sel, _NEG, t2))

    m1, t0, t1, t2 = pop(t0, t1, t2)
    m2, t0, t1, t2 = pop(t0, t1, t2)
    m3 = jnp.max(t0)
    res = jnp.where(lane == 0, m1,
                    jnp.where(lane == 1, m2,
                              jnp.where(lane == 2, m3, jnp.float32(0.0))))
    resv[...] = res
    pltpu.sync_copy(resv.at[pl.ds(0, 8)], out_hbm.at[pl.ds(wid * 8, 8)])


def _tc_body(x_ref, o_ref, t0, t1, t2):
    c = pl.program_id(0)

    @pl.when(c == 0)
    def _init():
        t0[...] = jnp.full((RTC, 128), _NEG, jnp.float32)
        t1[...] = jnp.full((RTC, 128), _NEG, jnp.float32)
        t2[...] = jnp.full((RTC, 128), _NEG, jnp.float32)

    blk = x_ref[...]
    a0, a1, a2 = t0[...], t1[...], t2[...]
    for j in range(TCB // 128):
        a0, a1, a2 = _insert(a0, a1, a2, blk[:, 128 * j:128 * (j + 1)])
    t0[...], t1[...], t2[...] = a0, a1, a2

    @pl.when(c == C // TCB - 1)
    def _fin():
        a0, a1, a2 = t0[...], t1[...], t2[...]
        iota = lax.broadcasted_iota(jnp.int32, (RTC, 128), 1)

        def pop(a0, a1, a2):
            m = jnp.max(a0, axis=1, keepdims=True)
            j = jnp.min(jnp.where(a0 == m, iota, 128), axis=1, keepdims=True)
            sel = iota == j
            return (m, jnp.where(sel, a1, a0), jnp.where(sel, a2, a1),
                    jnp.where(sel, _NEG, a2))

        m1, a0, a1, a2 = pop(a0, a1, a2)
        m2, a0, a1, a2 = pop(a0, a1, a2)
        m3 = jnp.max(a0, axis=1, keepdims=True)
        res = jnp.where(iota == 0, m1,
                        jnp.where(iota == 1, m2,
                                  jnp.where(iota == 2, m3, jnp.float32(0.0))))
        o_ref[...] = res[:, :8]


def kernel(x):
    mesh = plsc.VectorSubcoreMesh(core_axis_name="c", subcore_axis_name="s")
    f_sc = pl.kernel(
        _sc_body,
        mesh=mesh,
        compiler_params=pltpu.CompilerParams(needs_layout_passes=False),
        out_type=jax.ShapeDtypeStruct((RSC * 8,), jnp.float32),
        scratch_types=[
            pltpu.VMEM((C,), jnp.float32),
            pltpu.VMEM((L,), jnp.float32),
            pltpu.SemaphoreType.DMA,
            pltpu.SemaphoreType.DMA,
            pltpu.SemaphoreType.DMA,
            pltpu.SemaphoreType.DMA,
        ],
    )
    f_tc = pl.pallas_call(
        _tc_body,
        grid=(C // TCB,),
        in_specs=[pl.BlockSpec((RTC, TCB), lambda c: (1, c))],
        out_specs=pl.BlockSpec((RTC, 8), lambda c: (0, 0)),
        out_shape=jax.ShapeDtypeStruct((RTC, 8), jnp.float32),
        scratch_shapes=[pltpu.VMEM((RTC, 128), jnp.float32)] * 3,
    )
    out8 = jnp.concatenate([f_sc(x).reshape(RSC, 8), f_tc(x)], axis=0)
    return out8[:, :K]

# --- scband reference (transcript-rebuilt; emitter-appended) ---
"""Pipeline reference for scband-top-kvalues-10797547782632 (READ-ONLY COPY).

The authoritative reference and input builder live on the scoring server;
editing this copy changes nothing except your own understanding.
"""

import jax, jax.numpy as jnp
import numpy as np

def setup_inputs(seed: int = 0) -> dict:
    key = jax.random.key(seed)
    x = jax.random.normal(key, (64, 32768), dtype=jnp.float32)
    return {"x": x}

def reference(x):
    vals, _ = jax.lax.top_k(x, 3)
    return vals

if __name__ == "__main__":
    import jax
    _d = setup_inputs()
    print(jax.jit(kernel)(*tuple(_d.values())))

</pallas_src>

<mosaic_0001>
#map = affine_map<(d0, d1) -> (0, 0)>
#map1 = affine_map<(d0, d1) -> (0)>
module attributes {stable_mosaic.version = 14 : i64} {
  func.func @_sc_body(%arg0: i32, %arg1: i32, %arg2: memref<64x32768xf32, #tpu.memory_space<hbm>>, %arg3: memref<256xf32, #tpu.memory_space<hbm>>, %arg4: memref<32768xf32, #tpu.memory_space<vmem>>, %arg5: memref<16xf32, #tpu.memory_space<vmem>>, %arg6: memref<!tpu.dma_semaphore, #tpu.memory_space<semaphore_mem>>, %arg7: memref<!tpu.dma_semaphore, #tpu.memory_space<semaphore_mem>>, %arg8: memref<!tpu.dma_semaphore, #tpu.memory_space<semaphore_mem>>, %arg9: memref<!tpu.dma_semaphore, #tpu.memory_space<semaphore_mem>>) attributes {dimension_semantics = [#tpu.dimension_semantics<core_parallel>, #tpu.dimension_semantics<subcore_parallel>], iteration_bounds = array<i64: 2, 16>, scalar_prefetch = 0 : i64, scratch_operands = 6 : i64, tpu.core_type = #tpu.core_type<sc_vector_subcore>, window_params = [{transform_indices = #map}, {transform_indices = #map1}]} {
    %mul3A = arith.constant 2 : i32
    %mul3A_0 = arith.muli %arg1, %mul3A : i32
    %add3A = arith.addi %mul3A_0, %arg0 : i32
    %dma_start3A = arith.constant 0 : i32
    %dma_start3A_1 = tpu.memref_slice %arg4[%dma_start3A] : memref<32768xf32, #tpu.memory_space<vmem>> -> memref<8192xf32, #tpu.memory_space<vmem>>
    %dma_start3A_2 = arith.constant 0 : i32
    %dma_start3A_3 = tpu.memref_slice %arg2[%add3A, %dma_start3A_2] : memref<64x32768xf32, #tpu.memory_space<hbm>> -> memref<1x8192xf32, #tpu.memory_space<hbm>>
    %dma_start3A_4 = tpu.memref_squeeze %dma_start3A_3 : memref<1x8192xf32, #tpu.memory_space<hbm>> -> memref<8192xf32, #tpu.memory_space<hbm>>
    %dma_start3A_5 = arith.constant 0 : i32
    %dma_start3A_6 = tpu.memref_slice %arg4[%dma_start3A_5] : memref<32768xf32, #tpu.memory_space<vmem>> -> memref<8192xf32, #tpu.memory_space<vmem>>
    %dma_start3A_7 = arith.constant 0 : i32
    %dma_start3A_8 = tpu.memref_slice %arg2[%add3A, %dma_start3A_7] : memref<64x32768xf32, #tpu.memory_space<hbm>> -> memref<1x8192xf32, #tpu.memory_space<hbm>>
    %dma_start3A_9 = tpu.memref_squeeze %dma_start3A_8 : memref<1x8192xf32, #tpu.memory_space<hbm>> -> memref<8192xf32, #tpu.memory_space<hbm>>
    tpu.enqueue_dma source(%dma_start3A_9 : memref<8192xf32, #tpu.memory_space<hbm>>) target(%dma_start3A_6 : memref<8192xf32, #tpu.memory_space<vmem>>) target_semaphore(%arg6 : memref<!tpu.dma_semaphore, #tpu.memory_space<semaphore_mem>>)
    %dma_start3A_10 = arith.constant 8192 : i32
    %dma_start3A_11 = tpu.memref_slice %arg4[%dma_start3A_10] : memref<32768xf32, #tpu.memory_space<vmem>> -> memref<8192xf32, #tpu.memory_space<vmem>>
    %dma_start3A_12 = arith.constant 8192 : i32
    %dma_start3A_13 = tpu.memref_slice %arg2[%add3A, %dma_start3A_12] : memref<64x32768xf32, #tpu.memory_space<hbm>> -> memref<1x8192xf32, #tpu.memory_space<hbm>>
    %dma_start3A_14 = tpu.memref_squeeze %dma_start3A_13 : memref<1x8192xf32, #tpu.memory_space<hbm>> -> memref<8192xf32, #tpu.memory_space<hbm>>
    %dma_start3A_15 = arith.constant 8192 : i32
    %dma_start3A_16 = tpu.memref_slice %arg4[%dma_start3A_15] : memref<32768xf32, #tpu.memory_space<vmem>> -> memref<8192xf32, #tpu.memory_space<vmem>>
    %dma_start3A_17 = arith.constant 8192 : i32
    %dma_start3A_18 = tpu.memref_slice %arg2[%add3A, %dma_start3A_17] : memref<64x32768xf32, #tpu.memory_space<hbm>> -> memref<1x8192xf32, #tpu.memory_space<hbm>>
    %dma_start3A_19 = tpu.memref_squeeze %dma_start3A_18 : memref<1x8192xf32, #tpu.memory_space<hbm>> -> memref<8192xf32, #tpu.memory_space<hbm>>
    tpu.enqueue_dma source(%dma_start3A_19 : memref<8192xf32, #tpu.memory_space<hbm>>) target(%dma_start3A_16 : memref<8192xf32, #tpu.memory_space<vmem>>) target_semaphore(%arg7 : memref<!tpu.dma_semaphore, #tpu.memory_space<semaphore_mem>>)
    %dma_start3A_20 = arith.constant 16384 : i32
    %dma_start3A_21 = tpu.memref_slice %arg4[%dma_start3A_20] : memref<32768xf32, #tpu.memory_space<vmem>> -> memref<8192xf32, #tpu.memory_space<vmem>>
    %dma_start3A_22 = arith.constant 16384 : i32
    %dma_start3A_23 = tpu.memref_slice %arg2[%add3A, %dma_start3A_22] : memref<64x32768xf32, #tpu.memory_space<hbm>> -> memref<1x8192xf32, #tpu.memory_space<hbm>>
    %dma_start3A_24 = tpu.memref_squeeze %dma_start3A_23 : memref<1x8192xf32, #tpu.memory_space<hbm>> -> memref<8192xf32, #tpu.memory_space<hbm>>
    %dma_start3A_25 = arith.constant 16384 : i32
    %dma_start3A_26 = tpu.memref_slice %arg4[%dma_start3A_25] : memref<32768xf32, #tpu.memory_space<vmem>> -> memref<8192xf32, #tpu.memory_space<vmem>>
    %dma_start3A_27 = arith.constant 16384 : i32
    %dma_start3A_28 = tpu.memref_slice %arg2[%add3A, %dma_start3A_27] : memref<64x32768xf32, #tpu.memory_space<hbm>> -> memref<1x8192xf32, #tpu.memory_space<hbm>>
    %dma_start3A_29 = tpu.memref_squeeze %dma_start3A_28 : memref<1x8192xf32, #tpu.memory_space<hbm>> -> memref<8192xf32, #tpu.memory_space<hbm>>
    tpu.enqueue_dma source(%dma_start3A_29 : memref<8192xf32, #tpu.memory_space<hbm>>) target(%dma_start3A_26 : memref<8192xf32, #tpu.memory_space<vmem>>) target_semaphore(%arg8 : memref<!tpu.dma_semaphore, #tpu.memory_space<semaphore_mem>>)
    %dma_start3A_30 = arith.constant 24576 : i32
    %dma_start3A_31 = tpu.memref_slice %arg4[%dma_start3A_30] : memref<32768xf32, #tpu.memory_space<vmem>> -> memref<8192xf32, #tpu.memory_space<vmem>>
    %dma_start3A_32 = arith.constant 24576 : i32
    %dma_start3A_33 = tpu.memref_slice %arg2[%add3A, %dma_start3A_32] : memref<64x32768xf32, #tpu.memory_space<hbm>> -> memref<1x8192xf32, #tpu.memory_space<hbm>>
    %dma_start3A_34 = tpu.memref_squeeze %dma_start3A_33 : memref<1x8192xf32, #tpu.memory_space<hbm>> -> memref<8192xf32, #tpu.memory_space<hbm>>
    %dma_start3A_35 = arith.constant 24576 : i32
    %dma_start3A_36 = tpu.memref_slice %arg4[%dma_start3A_35] : memref<32768xf32, #tpu.memory_space<vmem>> -> memref<8192xf32, #tpu.memory_space<vmem>>
    %dma_start3A_37 = arith.constant 24576 : i32
    %dma_start3A_38 = tpu.memref_slice %arg2[%add3A, %dma_start3A_37] : memref<64x32768xf32, #tpu.memory_space<hbm>> -> memref<1x8192xf32, #tpu.memory_space<hbm>>
    %dma_start3A_39 = tpu.memref_squeeze %dma_start3A_38 : memref<1x8192xf32, #tpu.memory_space<hbm>> -> memref<8192xf32, #tpu.memory_space<hbm>>
    tpu.enqueue_dma source(%dma_start3A_39 : memref<8192xf32, #tpu.memory_space<hbm>>) target(%dma_start3A_36 : memref<8192xf32, #tpu.memory_space<vmem>>) target_semaphore(%arg9 : memref<!tpu.dma_semaphore, #tpu.memory_space<semaphore_mem>>)
    %iota3A = tpu.iota {dimensions = array<i32: 0>} : vector<16xi32>
    %broadcast_in_dim3A = arith.constant 0xFF800000 : f32
    %broadcast_in_dim3A_40 = vector.broadcast %broadcast_in_dim3A : f32 to vector<16xf32>
    %dma_wait3A = arith.constant 0 : i32
    %dma_wait3A_41 = tpu.memref_slice %arg4[%dma_wait3A] : memref<32768xf32, #tpu.memory_space<vmem>> -> memref<8192xf32, #tpu.memory_space<vmem>>
    %dma_wait3A_42 = arith.constant 0 : i32
    %dma_wait3A_43 = tpu.memref_slice %arg2[%add3A, %dma_wait3A_42] : memref<64x32768xf32, #tpu.memory_space<hbm>> -> memref<1x8192xf32, #tpu.memory_space<hbm>>
    %dma_wait3A_44 = tpu.memref_squeeze %dma_wait3A_43 : memref<1x8192xf32, #tpu.memory_space<hbm>> -> memref<8192xf32, #tpu.memory_space<hbm>>
    %dma_wait3A_45 = arith.constant 0 : i32
    %dma_wait3A_46 = tpu.memref_slice %arg4[%dma_wait3A_45] : memref<32768xf32, #tpu.memory_space<vmem>> -> memref<8192xf32, #tpu.memory_space<vmem>>
    %dma_wait3A_47 = arith.constant 0 : i32
    %dma_wait3A_48 = tpu.memref_slice %arg2[%add3A, %dma_wait3A_47] : memref<64x32768xf32, #tpu.memory_space<hbm>> -> memref<1x8192xf32, #tpu.memory_space<hbm>>
    %dma_wait3A_49 = tpu.memref_squeeze %dma_wait3A_48 : memref<1x8192xf32, #tpu.memory_space<hbm>> -> memref<8192xf32, #tpu.memory_space<hbm>>
    tpu.wait_dma2 semaphore(%arg6 : memref<!tpu.dma_semaphore, #tpu.memory_space<semaphore_mem>>) src(%dma_wait3A_49 : memref<8192xf32, #tpu.memory_space<hbm>>) dst(%dma_wait3A_46 : memref<8192xf32, #tpu.memory_space<vmem>>)
    %scan3A = arith.constant 0 : i32
    %scan3A_50 = arith.constant 128 : i32
    %scan3A_51 = arith.addi %scan3A, %scan3A_50 : i32
    %scan3A_52 = arith.constant 1 : i32
    %scan3A_53:12 = scf.for %scan3A_191 = %scan3A to %scan3A_51 step %scan3A_52 iter_args(%scan3A_192 = %broadcast_in_dim3A_40, %scan3A_193 = %broadcast_in_dim3A_40, %scan3A_194 = %broadcast_in_dim3A_40, %scan3A_195 = %broadcast_in_dim3A_40, %scan3A_196 = %broadcast_in_dim3A_40, %scan3A_197 = %broadcast_in_dim3A_40, %scan3A_198 = %broadcast_in_dim3A_40, %scan3A_199 = %broadcast_in_dim3A_40, %scan3A_200 = %broadcast_in_dim3A_40, %scan3A_201 = %broadcast_in_dim3A_40, %scan3A_202 = %broadcast_in_dim3A_40, %scan3A_203 = %broadcast_in_dim3A_40) -> (vector<16xf32>, vector<16xf32>, vector<16xf32>, vector<16xf32>, vector<16xf32>, vector<16xf32>, vector<16xf32>, vector<16xf32>, vector<16xf32>, vector<16xf32>, vector<16xf32>, vector<16xf32>)  : i32 {
      %mul3A_204 = arith.constant 4 : i32
      %mul3A_205 = arith.muli %scan3A_191, %mul3A_204 : i32
      %add3A_206 = arith.constant 0 : i32
      %add3A_207 = arith.addi %mul3A_205, %add3A_206 : i32
      %mul3A_208 = arith.constant 16 : i32
      %mul3A_209 = arith.muli %add3A_207, %mul3A_208 : i32
      %add3A_210 = arith.constant 0 : i32
      %add3A_211 = arith.addi %add3A_210, %mul3A_209 : i32
      %get3A = arith.index_cast %add3A_211 : i32 to index
      %get3A_212 = tpu.vector_load %arg4[%get3A] {strides = array<i32>} : memref<32768xf32, #tpu.memory_space<vmem>>, vector<16xf32>,
      %min3A_213 = arith.minimumf %scan3A_192, %get3A_212 : vector<16xf32>
      %max3A_214 = arith.maximumf %scan3A_192, %get3A_212 : vector<16xf32>
      %min3A_215 = arith.minimumf %scan3A_193, %min3A_213 : vector<16xf32>
      %max3A_216 = arith.maximumf %scan3A_193, %min3A_213 : vector<16xf32>
      %max3A_217 = arith.maximumf %scan3A_194, %min3A_215 : vector<16xf32>
      %mul3A_218 = arith.constant 4 : i32
      %mul3A_219 = arith.muli %scan3A_191, %mul3A_218 : i32
      %add3A_220 = arith.constant 1 : i32
      %add3A_221 = arith.addi %mul3A_219, %add3A_220 : i32
      %mul3A_222 = arith.constant 16 : i32
      %mul3A_223 = arith.muli %add3A_221, %mul3A_222 : i32
      %add3A_224 = arith.constant 0 : i32
      %add3A_225 = arith.addi %add3A_224, %mul3A_223 : i32
      %get3A_226 = arith.index_cast %add3A_225 : i32 to index
      %get3A_227 = tpu.vector_load %arg4[%get3A_226] {strides = array<i32>} : memref<32768xf32, #tpu.memory_space<vmem>>, vector<16xf32>,
      %min3A_228 = arith.minimumf %scan3A_195, %get3A_227 : vector<16xf32>
      %max3A_229 = arith.maximumf %scan3A_195, %get3A_227 : vector<16xf32>
      %min3A_230 = arith.minimumf %scan3A_196, %min3A_228 : vector<16xf32>
      %max3A_231 = arith.maximumf %scan3A_196, %min3A_228 : vector<16xf32>
      %max3A_232 = arith.maximumf %scan3A_197, %min3A_230 : vector<16xf32>
      %mul3A_233 = arith.constant 4 : i32
      %mul3A_234 = arith.muli %scan3A_191, %mul3A_233 : i32
      %add3A_235 = arith.constant 2 : i32
      %add3A_236 = arith.addi %mul3A_234, %add3A_235 : i32
      %mul3A_237 = arith.constant 16 : i32
      %mul3A_238 = arith.muli %add3A_236, %mul3A_237 : i32
      %add3A_239 = arith.constant 0 : i32
      %add3A_240 = arith.addi %add3A_239, %mul3A_238 : i32
      %get3A_241 = arith.index_cast %add3A_240 : i32 to index
      %get3A_242 = tpu.vector_load %arg4[%get3A_241] {strides = array<i32>} : memref<32768xf32, #tpu.memory_space<vmem>>, vector<16xf32>,
      %min3A_243 = arith.minimumf %scan3A_198, %get3A_242 : vector<16xf32>
      %max3A_244 = arith.maximumf %scan3A_198, %get3A_242 : vector<16xf32>
      %min3A_245 = arith.minimumf %scan3A_199, %min3A_243 : vector<16xf32>
      %max3A_246 = arith.maximumf %scan3A_199, %min3A_243 : vector<16xf32>
      %max3A_247 = arith.maximumf %scan3A_200, %min3A_245 : vector<16xf32>
      %mul3A_248 = arith.constant 4 : i32
      %mul3A_249 = arith.muli %scan3A_191, %mul3A_248 : i32
      %add3A_250 = arith.constant 3 : i32
      %add3A_251 = arith.addi %mul3A_249, %add3A_250 : i32
      %mul3A_252 = arith.constant 16 : i32
      %mul3A_253 = arith.muli %add3A_251, %mul3A_252 : i32
      %add3A_254 = arith.constant 0 : i32
      %add3A_255 = arith.addi %add3A_254, %mul3A_253 : i32
      %get3A_256 = arith.index_cast %add3A_255 : i32 to index
      %get3A_257 = tpu.vector_load %arg4[%get3A_256] {strides = array<i32>} : memref<32768xf32, #tpu.memory_space<vmem>>, vector<16xf32>,
      %min3A_258 = arith.minimumf %scan3A_201, %get3A_257 : vector<16xf32>
      %max3A_259 = arith.maximumf %scan3A_201, %get3A_257 : vector<16xf32>
      %min3A_260 = arith.minimumf %scan3A_202, %min3A_258 : vector<16xf32>
      %max3A_261 = arith.maximumf %scan3A_202, %min3A_258 : vector<16xf32>
      %max3A_262 = arith.maximumf %scan3A_203, %min3A_260 : vector<16xf32>
      scf.yield %max3A_214, %max3A_216, %max3A_217, %max3A_229, %max3A_231, %max3A_232, %max3A_244, %max3A_246, %max3A_247, %max3A_259, %max3A_261, %max3A_262 : vector<16xf32>, vector<16xf32>, vector<16xf32>, vector<16xf32>, vector<16xf32>, vector<16xf32>, vector<16xf32>, vector<16xf32>, vector<16xf32>, vector<16xf32>, vector<16xf32>, vector<16xf32>
    }
    %scan3A_54 = arith.constant 128 : i32
    %dma_wait3A_55 = arith.constant 8192 : i32
    %dma_wait3A_56 = tpu.memref_slice %arg4[%dma_wait3A_55] : memref<32768xf32, #tpu.memory_space<vmem>> -> memref<8192xf32, #tpu.memory_space<vmem>>
    %dma_wait3A_57 = arith.constant 8192 : i32
    %dma_wait3A_58 = tpu.memref_slice %arg2[%add3A, %dma_wait3A_57] : memref<64x32768xf32, #tpu.memory_space<hbm>> -> memref<1x8192xf32, #tpu.memory_space<hbm>>
    %dma_wait3A_59 = tpu.memref_squeeze %dma_wait3A_58 : memref<1x8192xf32, #tpu.memory_space<hbm>> -> memref<8192xf32, #tpu.memory_space<hbm>>
    %dma_wait3A_60 = arith.constant 8192 : i32
    %dma_wait3A_61 = tpu.memref_slice %arg4[%dma_wait3A_60] : memref<32768xf32, #tpu.memory_space<vmem>> -> memref<8192xf32, #tpu.memory_space<vmem>>
    %dma_wait3A_62 = arith.constant 8192 : i32
    %dma_wait3A_63 = tpu.memref_slice %arg2[%add3A, %dma_wait3A_62] : memref<64x32768xf32, #tpu.memory_space<hbm>> -> memref<1x8192xf32, #tpu.memory_space<hbm>>
    %dma_wait3A_64 = tpu.memref_squeeze %dma_wait3A_63 : memref<1x8192xf32, #tpu.memory_space<hbm>> -> memref<8192xf32, #tpu.memory_space<hbm>>
    tpu.wait_dma2 semaphore(%arg7 : memref<!tpu.dma_semaphore, #tpu.memory_space<semaphore_mem>>) src(%dma_wait3A_64 : memref<8192xf32, #tpu.memory_space<hbm>>) dst(%dma_wait3A_61 : memref<8192xf32, #tpu.memory_space<vmem>>)
    %scan3A_65 = arith.constant 0 : i32
    %scan3A_66 = arith.constant 128 : i32
    %scan3A_67 = arith.addi %scan3A_65, %scan3A_66 : i32
    %scan3A_68 = arith.constant 1 : i32
    %scan3A_69:12 = scf.for %scan3A_191 = %scan3A_65 to %scan3A_67 step %scan3A_68 iter_args(%scan3A_192 = %scan3A_53#0, %scan3A_193 = %scan3A_53#1, %scan3A_194 = %scan3A_53#2, %scan3A_195 = %scan3A_53#3, %scan3A_196 = %scan3A_53#4, %scan3A_197 = %scan3A_53#5, %scan3A_198 = %scan3A_53#6, %scan3A_199 = %scan3A_53#7, %scan3A_200 = %scan3A_53#8, %scan3A_201 = %scan3A_53#9, %scan3A_202 = %scan3A_53#10, %scan3A_203 = %scan3A_53#11) -> (vector<16xf32>, vector<16xf32>, vector<16xf32>, vector<16xf32>, vector<16xf32>, vector<16xf32>, vector<16xf32>, vector<16xf32>, vector<16xf32>, vector<16xf32>, vector<16xf32>, vector<16xf32>)  : i32 {
      %mul3A_204 = arith.constant 4 : i32
      %mul3A_205 = arith.muli %scan3A_191, %mul3A_204 : i32
      %add3A_206 = arith.constant 0 : i32
      %add3A_207 = arith.addi %mul3A_205, %add3A_206 : i32
      %mul3A_208 = arith.constant 16 : i32
      %mul3A_209 = arith.muli %add3A_207, %mul3A_208 : i32
      %add3A_210 = arith.constant 8192 : i32
      %add3A_211 = arith.addi %add3A_210, %mul3A_209 : i32
      %get3A = arith.index_cast %add3A_211 : i32 to index
      %get3A_212 = tpu.vector_load %arg4[%get3A] {strides = array<i32>} : memref<32768xf32, #tpu.memory_space<vmem>>, vector<16xf32>,
      %min3A_213 = arith.minimumf %scan3A_192, %get3A_212 : vector<16xf32>
      %max3A_214 = arith.maximumf %scan3A_192, %get3A_212 : vector<16xf32>
      %min3A_215 = arith.minimumf %scan3A_193, %min3A_213 : vector<16xf32>
      %max3A_216 = arith.maximumf %scan3A_193, %min3A_213 : vector<16xf32>
      %max3A_217 = arith.maximumf %scan3A_194, %min3A_215 : vector<16xf32>
      %mul3A_218 = arith.constant 4 : i32
      %mul3A_219 = arith.muli %scan3A_191, %mul3A_218 : i32
      %add3A_220 = arith.constant 1 : i32
      %add3A_221 = arith.addi %mul3A_219, %add3A_220 : i32
      %mul3A_222 = arith.constant 16 : i32
      %mul3A_223 = arith.muli %add3A_221, %mul3A_222 : i32
      %add3A_224 = arith.constant 8192 : i32
      %add3A_225 = arith.addi %add3A_224, %mul3A_223 : i32
      %get3A_226 = arith.index_cast %add3A_225 : i32 to index
      %get3A_227 = tpu.vector_load %arg4[%get3A_226] {strides = array<i32>} : memref<32768xf32, #tpu.memory_space<vmem>>, vector<16xf32>,
      %min3A_228 = arith.minimumf %scan3A_195, %get3A_227 : vector<16xf32>
      %max3A_229 = arith.maximumf %scan3A_195, %get3A_227 : vector<16xf32>
      %min3A_230 = arith.minimumf %scan3A_196, %min3A_228 : vector<16xf32>
      %max3A_231 = arith.maximumf %scan3A_196, %min3A_228 : vector<16xf32>
      %max3A_232 = arith.maximumf %scan3A_197, %min3A_230 : vector<16xf32>
      %mul3A_233 = arith.constant 4 : i32
      %mul3A_234 = arith.muli %scan3A_191, %mul3A_233 : i32
      %add3A_235 = arith.constant 2 : i32
      %add3A_236 = arith.addi %mul3A_234, %add3A_235 : i32
      %mul3A_237 = arith.constant 16 : i32
      %mul3A_238 = arith.muli %add3A_236, %mul3A_237 : i32
      %add3A_239 = arith.constant 8192 : i32
      %add3A_240 = arith.addi %add3A_239, %mul3A_238 : i32
      %get3A_241 = arith.index_cast %add3A_240 : i32 to index
      %get3A_242 = tpu.vector_load %arg4[%get3A_241] {strides = array<i32>} : memref<32768xf32, #tpu.memory_space<vmem>>, vector<16xf32>,
      %min3A_243 = arith.minimumf %scan3A_198, %get3A_242 : vector<16xf32>
      %max3A_244 = arith.maximumf %scan3A_198, %get3A_242 : vector<16xf32>
      %min3A_245 = arith.minimumf %scan3A_199, %min3A_243 : vector<16xf32>
      %max3A_246 = arith.maximumf %scan3A_199, %min3A_243 : vector<16xf32>
      %max3A_247 = arith.maximumf %scan3A_200, %min3A_245 : vector<16xf32>
      %mul3A_248 = arith.constant 4 : i32
      %mul3A_249 = arith.muli %scan3A_191, %mul3A_248 : i32
      %add3A_250 = arith.constant 3 : i32
      %add3A_251 = arith.addi %mul3A_249, %add3A_250 : i32
      %mul3A_252 = arith.constant 16 : i32
      %mul3A_253 = arith.muli %add3A_251, %mul3A_252 : i32
      %add3A_254 = arith.constant 8192 : i32
      %add3A_255 = arith.addi %add3A_254, %mul3A_253 : i32
      %get3A_256 = arith.index_cast %add3A_255 : i32 to index
      %get3A_257 = tpu.vector_load %arg4[%get3A_256] {strides = array<i32>} : memref<32768xf32, #tpu.memory_space<vmem>>, vector<16xf32>,
      %min3A_258 = arith.minimumf %scan3A_201, %get3A_257 : vector<16xf32>
      %max3A_259 = arith.maximumf %scan3A_201, %get3A_257 : vector<16xf32>
      %min3A_260 = arith.minimumf %scan3A_202, %min3A_258 : vector<16xf32>
      %max3A_261 = arith.maximumf %scan3A_202, %min3A_258 : vector<16xf32>
      %max3A_262 = arith.maximumf %scan3A_203, %min3A_260 : vector<16xf32>
      scf.yield %max3A_214, %max3A_216, %max3A_217, %max3A_229, %max3A_231, %max3A_232, %max3A_244, %max3A_246, %max3A_247, %max3A_259, %max3A_261, %max3A_262 : vector<16xf32>, vector<16xf32>, vector<16xf32>, vector<16xf32>, vector<16xf32>, vector<16xf32>, vector<16xf32>, vector<16xf32>, vector<16xf32>, vector<16xf32>, vector<16xf32>, vector<16xf32>
    }
    %scan3A_70 = arith.constant 128 : i32
    %dma_wait3A_71 = arith.constant 16384 : i32
    %dma_wait3A_72 = tpu.memref_slice %arg4[%dma_wait3A_71] : memref<32768xf32, #tpu.memory_space<vmem>> -> memref<8192xf32, #tpu.memory_space<vmem>>
    %dma_wait3A_73 = arith.constant 16384 : i32
    %dma_wait3A_74 = tpu.memref_slice %arg2[%add3A, %dma_wait3A_73] : memref<64x32768xf32, #tpu.memory_space<hbm>> -> memref<1x8192xf32, #tpu.memory_space<hbm>>
    %dma_wait3A_75 = tpu.memref_squeeze %dma_wait3A_74 : memref<1x8192xf32, #tpu.memory_space<hbm>> -> memref<8192xf32, #tpu.memory_space<hbm>>
    %dma_wait3A_76 = arith.constant 16384 : i32
    %dma_wait3A_77 = tpu.memref_slice %arg4[%dma_wait3A_76] : memref<32768xf32, #tpu.memory_space<vmem>> -> memref<8192xf32, #tpu.memory_space<vmem>>
    %dma_wait3A_78 = arith.constant 16384 : i32
    %dma_wait3A_79 = tpu.memref_slice %arg2[%add3A, %dma_wait3A_78] : memref<64x32768xf32, #tpu.memory_space<hbm>> -> memref<1x8192xf32, #tpu.memory_space<hbm>>
    %dma_wait3A_80 = tpu.memref_squeeze %dma_wait3A_79 : memref<1x8192xf32, #tpu.memory_space<hbm>> -> memref<8192xf32, #tpu.memory_space<hbm>>
    tpu.wait_dma2 semaphore(%arg8 : memref<!tpu.dma_semaphore, #tpu.memory_space<semaphore_mem>>) src(%dma_wait3A_80 : memref<8192xf32, #tpu.memory_space<hbm>>) dst(%dma_wait3A_77 : memref<8192xf32, #tpu.memory_space<vmem>>)
    %scan3A_81 = arith.constant 0 : i32
    %scan3A_82 = arith.constant 128 : i32
    %scan3A_83 = arith.addi %scan3A_81, %scan3A_82 : i32
    %scan3A_84 = arith.constant 1 : i32
    %scan3A_85:12 = scf.for %scan3A_191 = %scan3A_81 to %scan3A_83 step %scan3A_84 iter_args(%scan3A_192 = %scan3A_69#0, %scan3A_193 = %scan3A_69#1, %scan3A_194 = %scan3A_69#2, %scan3A_195 = %scan3A_69#3, %scan3A_196 = %scan3A_69#4, %scan3A_197 = %scan3A_69#5, %scan3A_198 = %scan3A_69#6, %scan3A_199 = %scan3A_69#7, %scan3A_200 = %scan3A_69#8, %scan3A_201 = %scan3A_69#9, %scan3A_202 = %scan3A_69#10, %scan3A_203 = %scan3A_69#11) -> (vector<16xf32>, vector<16xf32>, vector<16xf32>, vector<16xf32>, vector<16xf32>, vector<16xf32>, vector<16xf32>, vector<16xf32>, vector<16xf32>, vector<16xf32>, vector<16xf32>, vector<16xf32>)  : i32 {
      %mul3A_204 = arith.constant 4 : i32
      %mul3A_205 = arith.muli %scan3A_191, %mul3A_204 : i32
      %add3A_206 = arith.constant 0 : i32
      %add3A_207 = arith.addi %mul3A_205, %add3A_206 : i32
      %mul3A_208 = arith.constant 16 : i32
      %mul3A_209 = arith.muli %add3A_207, %mul3A_208 : i32
      %add3A_210 = arith.constant 16384 : i32
      %add3A_211 = arith.addi %add3A_210, %mul3A_209 : i32
      %get3A = arith.index_cast %add3A_211 : i32 to index
      %get3A_212 = tpu.vector_load %arg4[%get3A] {strides = array<i32>} : memref<32768xf32, #tpu.memory_space<vmem>>, vector<16xf32>,
      %min3A_213 = arith.minimumf %scan3A_192, %get3A_212 : vector<16xf32>
      %max3A_214 = arith.maximumf %scan3A_192, %get3A_212 : vector<16xf32>
      %min3A_215 = arith.minimumf %scan3A_193, %min3A_213 : vector<16xf32>
      %max3A_216 = arith.maximumf %scan3A_193, %min3A_213 : vector<16xf32>
      %max3A_217 = arith.maximumf %scan3A_194, %min3A_215 : vector<16xf32>
      %mul3A_218 = arith.constant 4 : i32
      %mul3A_219 = arith.muli %scan3A_191, %mul3A_218 : i32
      %add3A_220 = arith.constant 1 : i32
      %add3A_221 = arith.addi %mul3A_219, %add3A_220 : i32
      %mul3A_222 = arith.constant 16 : i32
      %mul3A_223 = arith.muli %add3A_221, %mul3A_222 : i32
      %add3A_224 = arith.constant 16384 : i32
      %add3A_225 = arith.addi %add3A_224, %mul3A_223 : i32
      %get3A_226 = arith.index_cast %add3A_225 : i32 to index
      %get3A_227 = tpu.vector_load %arg4[%get3A_226] {strides = array<i32>} : memref<32768xf32, #tpu.memory_space<vmem>>, vector<16xf32>,
      %min3A_228 = arith.minimumf %scan3A_195, %get3A_227 : vector<16xf32>
      %max3A_229 = arith.maximumf %scan3A_195, %get3A_227 : vector<16xf32>
      %min3A_230 = arith.minimumf %scan3A_196, %min3A_228 : vector<16xf32>
      %max3A_231 = arith.maximumf %scan3A_196, %min3A_228 : vector<16xf32>
      %max3A_232 = arith.maximumf %scan3A_197, %min3A_230 : vector<16xf32>
      %mul3A_233 = arith.constant 4 : i32
      %mul3A_234 = arith.muli %scan3A_191, %mul3A_233 : i32
      %add3A_235 = arith.constant 2 : i32
      %add3A_236 = arith.addi %mul3A_234, %add3A_235 : i32
      %mul3A_237 = arith.constant 16 : i32
      %mul3A_238 = arith.muli %add3A_236, %mul3A_237 : i32
      %add3A_239 = arith.constant 16384 : i32
      %add3A_240 = arith.addi %add3A_239, %mul3A_238 : i32
      %get3A_241 = arith.index_cast %add3A_240 : i32 to index
      %get3A_242 = tpu.vector_load %arg4[%get3A_241] {strides = array<i32>} : memref<32768xf32, #tpu.memory_space<vmem>>, vector<16xf32>,
      %min3A_243 = arith.minimumf %scan3A_198, %get3A_242 : vector<16xf32>
      %max3A_244 = arith.maximumf %scan3A_198, %get3A_242 : vector<16xf32>
      %min3A_245 = arith.minimumf %scan3A_199, %min3A_243 : vector<16xf32>
      %max3A_246 = arith.maximumf %scan3A_199, %min3A_243 : vector<16xf32>
      %max3A_247 = arith.maximumf %scan3A_200, %min3A_245 : vector<16xf32>
      %mul3A_248 = arith.constant 4 : i32
      %mul3A_249 = arith.muli %scan3A_191, %mul3A_248 : i32
      %add3A_250 = arith.constant 3 : i32
      %add3A_251 = arith.addi %mul3A_249, %add3A_250 : i32
      %mul3A_252 = arith.constant 16 : i32
      %mul3A_253 = arith.muli %add3A_251, %mul3A_252 : i32
      %add3A_254 = arith.constant 16384 : i32
      %add3A_255 = arith.addi %add3A_254, %mul3A_253 : i32
      %get3A_256 = arith.index_cast %add3A_255 : i32 to index
      %get3A_257 = tpu.vector_load %arg4[%get3A_256] {strides = array<i32>} : memref<32768xf32, #tpu.memory_space<vmem>>, vector<16xf32>,
      %min3A_258 = arith.minimumf %scan3A_201, %get3A_257 : vector<16xf32>
      %max3A_259 = arith.maximumf %scan3A_201, %get3A_257 : vector<16xf32>
      %min3A_260 = arith.minimumf %scan3A_202, %min3A_258 : vector<16xf32>
      %max3A_261 = arith.maximumf %scan3A_202, %min3A_258 : vector<16xf32>
      %max3A_262 = arith.maximumf %scan3A_203, %min3A_260 : vector<16xf32>
      scf.yield %max3A_214, %max3A_216, %max3A_217, %max3A_229, %max3A_231, %max3A_232, %max3A_244, %max3A_246, %max3A_247, %max3A_259, %max3A_261, %max3A_262 : vector<16xf32>, vector<16xf32>, vector<16xf32>, vector<16xf32>, vector<16xf32>, vector<16xf32>, vector<16xf32>, vector<16xf32>, vector<16xf32>, vector<16xf32>, vector<16xf32>, vector<16xf32>
    }
    %scan3A_86 = arith.constant 128 : i32
    %dma_wait3A_87 = arith.constant 24576 : i32
    %dma_wait3A_88 = tpu.memref_slice %arg4[%dma_wait3A_87] : memref<32768xf32, #tpu.memory_space<vmem>> -> memref<8192xf32, #tpu.memory_space<vmem>>
    %dma_wait3A_89 = arith.constant 24576 : i32
    %dma_wait3A_90 = tpu.memref_slice %arg2[%add3A, %dma_wait3A_89] : memref<64x32768xf32, #tpu.memory_space<hbm>> -> memref<1x8192xf32, #tpu.memory_space<hbm>>
    %dma_wait3A_91 = tpu.memref_squeeze %dma_wait3A_90 : memref<1x8192xf32, #tpu.memory_space<hbm>> -> memref<8192xf32, #tpu.memory_space<hbm>>
    %dma_wait3A_92 = arith.constant 24576 : i32
    %dma_wait3A_93 = tpu.memref_slice %arg4[%dma_wait3A_92] : memref<32768xf32, #tpu.memory_space<vmem>> -> memref<8192xf32, #tpu.memory_space<vmem>>
    %dma_wait3A_94 = arith.constant 24576 : i32
    %dma_wait3A_95 = tpu.memref_slice %arg2[%add3A, %dma_wait3A_94] : memref<64x32768xf32, #tpu.memory_space<hbm>> -> memref<1x8192xf32, #tpu.memory_space<hbm>>
    %dma_wait3A_96 = tpu.memref_squeeze %dma_wait3A_95 : memref<1x8192xf32, #tpu.memory_space<hbm>> -> memref<8192xf32, #tpu.memory_space<hbm>>
    tpu.wait_dma2 semaphore(%arg9 : memref<!tpu.dma_semaphore, #tpu.memory_space<semaphore_mem>>) src(%dma_wait3A_96 : memref<8192xf32, #tpu.memory_space<hbm>>) dst(%dma_wait3A_93 : memref<8192xf32, #tpu.memory_space<vmem>>)
    %scan3A_97 = arith.constant 0 : i32
    %scan3A_98 = arith.constant 128 : i32
    %scan3A_99 = arith.addi %scan3A_97, %scan3A_98 : i32
    %scan3A_100 = arith.constant 1 : i32
    %scan3A_101:12 = scf.for %scan3A_191 = %scan3A_97 to %scan3A_99 step %scan3A_100 iter_args(%scan3A_192 = %scan3A_85#0, %scan3A_193 = %scan3A_85#1, %scan3A_194 = %scan3A_85#2, %scan3A_195 = %scan3A_85#3, %scan3A_196 = %scan3A_85#4, %scan3A_197 = %scan3A_85#5, %scan3A_198 = %scan3A_85#6, %scan3A_199 = %scan3A_85#7, %scan3A_200 = %scan3A_85#8, %scan3A_201 = %scan3A_85#9, %scan3A_202 = %scan3A_85#10, %scan3A_203 = %scan3A_85#11) -> (vector<16xf32>, vector<16xf32>, vector<16xf32>, vector<16xf32>, vector<16xf32>, vector<16xf32>, vector<16xf32>, vector<16xf32>, vector<16xf32>, vector<16xf32>, vector<16xf32>, vector<16xf32>)  : i32 {
      %mul3A_204 = arith.constant 4 : i32
      %mul3A_205 = arith.muli %scan3A_191, %mul3A_204 : i32
      %add3A_206 = arith.constant 0 : i32
      %add3A_207 = arith.addi %mul3A_205, %add3A_206 : i32
      %mul3A_208 = arith.constant 16 : i32
      %mul3A_209 = arith.muli %add3A_207, %mul3A_208 : i32
      %add3A_210 = arith.constant 24576 : i32
      %add3A_211 = arith.addi %add3A_210, %mul3A_209 : i32
      %get3A = arith.index_cast %add3A_211 : i32 to index
      %get3A_212 = tpu.vector_load %arg4[%get3A] {strides = array<i32>} : memref<32768xf32, #tpu.memory_space<vmem>>, vector<16xf32>,
      %min3A_213 = arith.minimumf %scan3A_192, %get3A_212 : vector<16xf32>
      %max3A_214 = arith.maximumf %scan3A_192, %get3A_212 : vector<16xf32>
      %min3A_215 = arith.minimumf %scan3A_193, %min3A_213 : vector<16xf32>
      %max3A_216 = arith.maximumf %scan3A_193, %min3A_213 : vector<16xf32>
      %max3A_217 = arith.maximumf %scan3A_194, %min3A_215 : vector<16xf32>
      %mul3A_218 = arith.constant 4 : i32
      %mul3A_219 = arith.muli %scan3A_191, %mul3A_218 : i32
      %add3A_220 = arith.constant 1 : i32
      %add3A_221 = arith.addi %mul3A_219, %add3A_220 : i32
      %mul3A_222 = arith.constant 16 : i32
      %mul3A_223 = arith.muli %add3A_221, %mul3A_222 : i32
      %add3A_224 = arith.constant 24576 : i32
      %add3A_225 = arith.addi %add3A_224, %mul3A_223 : i32
      %get3A_226 = arith.index_cast %add3A_225 : i32 to index
      %get3A_227 = tpu.vector_load %arg4[%get3A_226] {strides = array<i32>} : memref<32768xf32, #tpu.memory_space<vmem>>, vector<16xf32>,
      %min3A_228 = arith.minimumf %scan3A_195, %get3A_227 : vector<16xf32>
      %max3A_229 = arith.maximumf %scan3A_195, %get3A_227 : vector<16xf32>
      %min3A_230 = arith.minimumf %scan3A_196, %min3A_228 : vector<16xf32>
      %max3A_231 = arith.maximumf %scan3A_196, %min3A_228 : vector<16xf32>
      %max3A_232 = arith.maximumf %scan3A_197, %min3A_230 : vector<16xf32>
      %mul3A_233 = arith.constant 4 : i32
      %mul3A_234 = arith.muli %scan3A_191, %mul3A_233 : i32
      %add3A_235 = arith.constant 2 : i32
      %add3A_236 = arith.addi %mul3A_234, %add3A_235 : i32
      %mul3A_237 = arith.constant 16 : i32
      %mul3A_238 = arith.muli %add3A_236, %mul3A_237 : i32
      %add3A_239 = arith.constant 24576 : i32
      %add3A_240 = arith.addi %add3A_239, %mul3A_238 : i32
      %get3A_241 = arith.index_cast %add3A_240 : i32 to index
      %get3A_242 = tpu.vector_load %arg4[%get3A_241] {strides = array<i32>} : memref<32768xf32, #tpu.memory_space<vmem>>, vector<16xf32>,
      %min3A_243 = arith.minimumf %scan3A_198, %get3A_242 : vector<16xf32>
      %max3A_244 = arith.maximumf %scan3A_198, %get3A_242 : vector<16xf32>
      %min3A_245 = arith.minimumf %scan3A_199, %min3A_243 : vector<16xf32>
      %max3A_246 = arith.maximumf %scan3A_199, %min3A_243 : vector<16xf32>
      %max3A_247 = arith.maximumf %scan3A_200, %min3A_245 : vector<16xf32>
      %mul3A_248 = arith.constant 4 : i32
      %mul3A_249 = arith.muli %scan3A_191, %mul3A_248 : i32
      %add3A_250 = arith.constant 3 : i32
      %add3A_251 = arith.addi %mul3A_249, %add3A_250 : i32
      %mul3A_252 = arith.constant 16 : i32
      %mul3A_253 = arith.muli %add3A_251, %mul3A_252 : i32
      %add3A_254 = arith.constant 24576 : i32
      %add3A_255 = arith.addi %add3A_254, %mul3A_253 : i32
      %get3A_256 = arith.index_cast %add3A_255 : i32 to index
      %get3A_257 = tpu.vector_load %arg4[%get3A_256] {strides = array<i32>} : memref<32768xf32, #tpu.memory_space<vmem>>, vector<16xf32>,
      %min3A_258 = arith.minimumf %scan3A_201, %get3A_257 : vector<16xf32>
      %max3A_259 = arith.maximumf %scan3A_201, %get3A_257 : vector<16xf32>
      %min3A_260 = arith.minimumf %scan3A_202, %min3A_258 : vector<16xf32>
      %max3A_261 = arith.maximumf %scan3A_202, %min3A_258 : vector<16xf32>
      %max3A_262 = arith.maximumf %scan3A_203, %min3A_260 : vector<16xf32>
      scf.yield %max3A_214, %max3A_216, %max3A_217, %max3A_229, %max3A_231, %max3A_232, %max3A_244, %max3A_246, %max3A_247, %max3A_259, %max3A_261, %max3A_262 : vector<16xf32>, vector<16xf32>, vector<16xf32>, vector<16xf32>, vector<16xf32>, vector<16xf32>, vector<16xf32>, vector<16xf32>, vector<16xf32>, vector<16xf32>, vector<16xf32>, vector<16xf32>
    }
    %scan3A_102 = arith.constant 128 : i32
    %min3A = arith.minimumf %scan3A_101#0, %scan3A_101#3 : vector<16xf32>
    %max3A = arith.maximumf %scan3A_101#0, %scan3A_101#3 : vector<16xf32>
    %min3A_103 = arith.minimumf %scan3A_101#1, %min3A : vector<16xf32>
    %max3A_104 = arith.maximumf %scan3A_101#1, %min3A : vector<16xf32>
    %max3A_105 = arith.maximumf %scan3A_101#2, %min3A_103 : vector<16xf32>
    %min3A_106 = arith.minimumf %max3A, %scan3A_101#4 : vector<16xf32>
    %max3A_107 = arith.maximumf %max3A, %scan3A_101#4 : vector<16xf32>
    %min3A_108 = arith.minimumf %max3A_104, %min3A_106 : vector<16xf32>
    %max3A_109 = arith.maximumf %max3A_104, %min3A_106 : vector<16xf32>
    %max3A_110 = arith.maximumf %max3A_105, %min3A_108 : vector<16xf32>
    %min3A_111 = arith.minimumf %max3A_107, %scan3A_101#5 : vector<16xf32>
    %max3A_112 = arith.maximumf %max3A_107, %scan3A_101#5 : vector<16xf32>
    %min3A_113 = arith.minimumf %max3A_109, %min3A_111 : vector<16xf32>
    %max3A_114 = arith.maximumf %max3A_109, %min3A_111 : vector<16xf32>
    %max3A_115 = arith.maximumf %max3A_110, %min3A_113 : vector<16xf32>
    %min3A_116 = arith.minimumf %max3A_112, %scan3A_101#6 : vector<16xf32>
    %max3A_117 = arith.maximumf %max3A_112, %scan3A_101#6 : vector<16xf32>
    %min3A_118 = arith.minimumf %max3A_114, %min3A_116 : vector<16xf32>
    %max3A_119 = arith.maximumf %max3A_114, %min3A_116 : vector<16xf32>
    %max3A_120 = arith.maximumf %max3A_115, %min3A_118 : vector<16xf32>
    %min3A_121 = arith.minimumf %max3A_117, %scan3A_101#7 : vector<16xf32>
    %max3A_122 = arith.maximumf %max3A_117, %scan3A_101#7 : vector<16xf32>
    %min3A_123 = arith.minimumf %max3A_119, %min3A_121 : vector<16xf32>
    %max3A_124 = arith.maximumf %max3A_119, %min3A_121 : vector<16xf32>
    %max3A_125 = arith.maximumf %max3A_120, %min3A_123 : vector<16xf32>
    %min3A_126 = arith.minimumf %max3A_122, %scan3A_101#8 : vector<16xf32>
    %max3A_127 = arith.maximumf %max3A_122, %scan3A_101#8 : vector<16xf32>
    %min3A_128 = arith.minimumf %max3A_124, %min3A_126 : vector<16xf32>
    %max3A_129 = arith.maximumf %max3A_124, %min3A_126 : vector<16xf32>
    %max3A_130 = arith.maximumf %max3A_125, %min3A_128 : vector<16xf32>
    %min3A_131 = arith.minimumf %max3A_127, %scan3A_101#9 : vector<16xf32>
    %max3A_132 = arith.maximumf %max3A_127, %scan3A_101#9 : vector<16xf32>
    %min3A_133 = arith.minimumf %max3A_129, %min3A_131 : vector<16xf32>
    %max3A_134 = arith.maximumf %max3A_129, %min3A_131 : vector<16xf32>
    %max3A_135 = arith.maximumf %max3A_130, %min3A_133 : vector<16xf32>
    %min3A_136 = arith.minimumf %max3A_132, %scan3A_101#10 : vector<16xf32>
    %max3A_137 = arith.maximumf %max3A_132, %scan3A_101#10 : vector<16xf32>
    %min3A_138 = arith.minimumf %max3A_134, %min3A_136 : vector<16xf32>
    %max3A_139 = arith.maximumf %max3A_134, %min3A_136 : vector<16xf32>
    %max3A_140 = arith.maximumf %max3A_135, %min3A_138 : vector<16xf32>
    %min3A_141 = arith.minimumf %max3A_137, %scan3A_101#11 : vector<16xf32>
    %max3A_142 = arith.maximumf %max3A_137, %scan3A_101#11 : vector<16xf32>
    %min3A_143 = arith.minimumf %max3A_139, %min3A_141 : vector<16xf32>
    %max3A_144 = arith.maximumf %max3A_139, %min3A_141 : vector<16xf32>
    %max3A_145 = arith.maximumf %max3A_140, %min3A_143 : vector<16xf32>
    %reduce_max3A = arith.constant true
    %reduce_max3A_146 = vector.broadcast %reduce_max3A : i1 to vector<16xi1>
    %reduce_max3A_147 = tpu.scan <max>, %max3A_142 masked %reduce_max3A_146 : vector<16xf32>, vector<16xi1> -> vector<16xf32>
    %reduce_max3A_148 = vector.extract %reduce_max3A_147[15] : f32 from vector<16xf32>
    %eq3A = vector.broadcast %reduce_max3A_148 : f32 to vector<16xf32>
    %eq3A_149 = arith.cmpf oeq, %max3A_142, %eq3A : vector<16xf32>
    %all_reduce_ffs3A = tpu.all_reduce %eq3A_149 {dim = 0 : i64, kind = #tpu.reduction_kind<find_first_set>} : vector<16xi1> -> vector<16xi32>
    %eq3A_150 = arith.cmpi eq, %iota3A, %all_reduce_ffs3A : vector<16xi32>
    %select_n3A = arith.select %eq3A_150, %max3A_144, %max3A_142 : vector<16xi1>, vector<16xf32>
    %select_n3A_151 = arith.select %eq3A_150, %max3A_145, %max3A_144 : vector<16xi1>, vector<16xf32>
    %jit3A = arith.constant 0xFF800000 : f32
    %broadcast_in_dim3A_152 = vector.broadcast %jit3A : f32 to vector<16xf32>
    %select_n3A_153 = arith.select %eq3A_150, %broadcast_in_dim3A_152, %max3A_145 : vector<16xi1>, vector<16xf32>
    %reduce_max3A_154 = arith.constant true
    %reduce_max3A_155 = vector.broadcast %reduce_max3A_154 : i1 to vector<16xi1>
    %reduce_max3A_156 = tpu.scan <max>, %select_n3A masked %reduce_max3A_155 : vector<16xf32>, vector<16xi1> -> vector<16xf32>
    %reduce_max3A_157 = vector.extract %reduce_max3A_156[15] : f32 from vector<16xf32>
    %eq3A_158 = vector.broadcast %reduce_max3A_157 : f32 to vector<16xf32>
    %eq3A_159 = arith.cmpf oeq, %select_n3A, %eq3A_158 : vector<16xf32>
    %all_reduce_ffs3A_160 = tpu.all_reduce %eq3A_159 {dim = 0 : i64, kind = #tpu.reduction_kind<find_first_set>} : vector<16xi1> -> vector<16xi32>
    %eq3A_161 = arith.cmpi eq, %iota3A, %all_reduce_ffs3A_160 : vector<16xi32>
    %select_n3A_162 = arith.select %eq3A_161, %select_n3A_151, %select_n3A : vector<16xi1>, vector<16xf32>
    %select_n3A_163 = arith.select %eq3A_161, %select_n3A_153, %select_n3A_151 : vector<16xi1>, vector<16xf32>
    %jit3A_164 = arith.constant 0xFF800000 : f32
    %broadcast_in_dim3A_165 = vector.broadcast %jit3A_164 : f32 to vector<16xf32>
    %select_n3A_166 = arith.select %eq3A_161, %broadcast_in_dim3A_165, %select_n3A_153 : vector<16xi1>, vector<16xf32>
    %reduce_max3A_167 = arith.constant true
    %reduce_max3A_168 = vector.broadcast %reduce_max3A_167 : i1 to vector<16xi1>
    %reduce_max3A_169 = tpu.scan <max>, %select_n3A_162 masked %reduce_max3A_168 : vector<16xf32>, vector<16xi1> -> vector<16xf32>
    %reduce_max3A_170 = vector.extract %reduce_max3A_169[15] : f32 from vector<16xf32>
    %eq3A_171 = arith.constant 0 : i32
    %eq3A_172 = vector.broadcast %eq3A_171 : i32 to vector<16xi32>
    %eq3A_173 = arith.cmpi eq, %iota3A, %eq3A_172 : vector<16xi32>
    %eq3A_174 = arith.constant 1 : i32
    %eq3A_175 = vector.broadcast %eq3A_174 : i32 to vector<16xi32>
    %eq3A_176 = arith.cmpi eq, %iota3A, %eq3A_175 : vector<16xi32>
    %eq3A_177 = arith.constant 2 : i32
    %eq3A_178 = vector.broadcast %eq3A_177 : i32 to vector<16xi32>
    %eq3A_179 = arith.cmpi eq, %iota3A, %eq3A_178 : vector<16xi32>
    %jit3A_180 = arith.constant 0.000000e+00 : f32
    %broadcast_in_dim3A_181 = vector.broadcast %reduce_max3A_170 : f32 to vector<16xf32>
    %broadcast_in_dim3A_182 = vector.broadcast %jit3A_180 : f32 to vector<16xf32>
    %select_n3A_183 = arith.select %eq3A_179, %broadcast_in_dim3A_181, %broadcast_in_dim3A_182 : vector<16xi1>, vector<16xf32>
    %broadcast_in_dim3A_184 = vector.broadcast %reduce_max3A_157 : f32 to vector<16xf32>
    %select_n3A_185 = arith.select %eq3A_176, %broadcast_in_dim3A_184, %select_n3A_183 : vector<16xi1>, vector<16xf32>
    %broadcast_in_dim3A_186 = vector.broadcast %reduce_max3A_148 : f32 to vector<16xf32>
    %select_n3A_187 = arith.select %eq3A_173, %broadcast_in_dim3A_186, %select_n3A_185 : vector<16xi1>, vector<16xf32>
    %swap3A = arith.constant 0 : index
    %swap3A_188 = tpu.vector_load %arg5[%swap3A] {strides = array<i32>} : memref<16xf32, #tpu.memory_space<vmem>>, vector<16xf32>,
    tpu.vector_store %arg5[%swap3A], %select_n3A_187 {strides = array<i32>} : memref<16xf32, #tpu.memory_space<vmem>>, vector<16xf32>,
    %mul3A_189 = arith.constant 8 : i32
    %mul3A_190 = arith.muli %add3A, %mul3A_189 : i32
    "tpu.region"() ({
      %run_scoped3A = tpu.sem_alloc : memref<!tpu.dma_semaphore, #tpu.memory_space<semaphore_mem>>
      %dma_start3A_191 = arith.constant 0 : i32
      %dma_start3A_192 = tpu.memref_slice %arg5[%dma_start3A_191] : memref<16xf32, #tpu.memory_space<vmem>> -> memref<8xf32, #tpu.memory_space<vmem>>
      %dma_start3A_193 = tpu.memref_slice %arg3[%mul3A_190] : memref<256xf32, #tpu.memory_space<hbm>> -> memref<8xf32, #tpu.memory_space<hbm>>
      %dma_start3A_194 = tpu.memref_slice %arg3[%mul3A_190] : memref<256xf32, #tpu.memory_space<hbm>> -> memref<8xf32, #tpu.memory_space<hbm>>
      %dma_start3A_195 = arith.constant 0 : i32
      %dma_start3A_196 = tpu.memref_slice %arg5[%dma_start3A_195] : memref<16xf32, #tpu.memory_space<vmem>> -> memref<8xf32, #tpu.memory_space<vmem>>
      tpu.enqueue_dma source(%dma_start3A_196 : memref<8xf32, #tpu.memory_space<vmem>>) target(%dma_start3A_194 : memref<8xf32, #tpu.memory_space<hbm>>) target_semaphore(%run_scoped3A : memref<!tpu.dma_semaphore, #tpu.memory_space<semaphore_mem>>)
      %dma_wait3A_197 = arith.constant 0 : i32
      %dma_wait3A_198 = tpu.memref_slice %arg5[%dma_wait3A_197] : memref<16xf32, #tpu.memory_space<vmem>> -> memref<8xf32, #tpu.memory_space<vmem>>
      %dma_wait3A_199 = tpu.memref_slice %arg3[%mul3A_190] : memref<256xf32, #tpu.memory_space<hbm>> -> memref<8xf32, #tpu.memory_space<hbm>>
      %dma_wait3A_200 = tpu.memref_slice %arg3[%mul3A_190] : memref<256xf32, #tpu.memory_space<hbm>> -> memref<8xf32, #tpu.memory_space<hbm>>
      %dma_wait3A_201 = arith.constant 0 : i32
      %dma_wait3A_202 = tpu.memref_slice %arg5[%dma_wait3A_201] : memref<16xf32, #tpu.memory_space<vmem>> -> memref<8xf32, #tpu.memory_space<vmem>>
      tpu.wait_dma2 semaphore(%run_scoped3A : memref<!tpu.dma_semaphore, #tpu.memory_space<semaphore_mem>>) src(%dma_wait3A_202 : memref<8xf32, #tpu.memory_space<vmem>>) dst(%dma_wait3A_200 : memref<8xf32, #tpu.memory_space<hbm>>)
      tpu.yield
    }) : () -> ()
    return
  }
}

module attributes {stable_mosaic.version = 14 : i64} {
  func.func @_tc_body(%arg0: i32, %arg1: memref<32x8192xf32, #tpu.memory_space<vmem>>, %arg2: memref<32x8xf32, #tpu.memory_space<vmem>>, %arg3: memref<32x128xf32, #tpu.memory_space<vmem>>, %arg4: memref<32x128xf32, #tpu.memory_space<vmem>>, %arg5: memref<32x128xf32, #tpu.memory_space<vmem>>) attributes {dimension_semantics = [#tpu.dimension_semantics<arbitrary>], iteration_bounds = array<i64: 4>, scalar_prefetch = 0 : i64, scratch_operands = 3 : i64, tpu.core_type = #tpu.core_type<tc>, window_params = [{transform_indices = @transform_0, window_bounds = array<i64: 32, 8192>}, {pipeline_mode = #tpu.pipeline_mode<synchronous>, transform_indices = @transform_1, window_bounds = array<i64: 32, 8>}]} {
    %eq3A = arith.constant 0 : i32
    %eq3A_0 = arith.cmpi eq, %arg0, %eq3A : i32
    %convert_element_type3A = arith.extui %eq3A_0 : i1 to i32
    %cond3A = arith.constant 0 : i32
    %cond3A_1 = arith.cmpi ne, %convert_element_type3A, %cond3A : i32
    scf.if %cond3A_1 {
      %broadcast_in_dim3A = arith.constant 0xFF800000 : f32
      %broadcast_in_dim3A_407 = vector.broadcast %broadcast_in_dim3A : f32 to vector<32x128xf32>
      %swap3A_408 = arith.constant 0 : index
      %swap3A_409 = arith.constant 0 : index
      %swap3A_410 = vector.load %arg3[%swap3A_408, %swap3A_409] : memref<32x128xf32, #tpu.memory_space<vmem>>, vector<32x128xf32>
      tpu.vector_store %arg3[%swap3A_408, %swap3A_409], %broadcast_in_dim3A_407 {strides = array<i32>} : memref<32x128xf32, #tpu.memory_space<vmem>>, vector<32x128xf32>,
      %broadcast_in_dim3A_411 = arith.constant 0xFF800000 : f32
      %broadcast_in_dim3A_412 = vector.broadcast %broadcast_in_dim3A_411 : f32 to vector<32x128xf32>
      %swap3A_413 = arith.constant 0 : index
      %swap3A_414 = arith.constant 0 : index
      %swap3A_415 = vector.load %arg4[%swap3A_413, %swap3A_414] : memref<32x128xf32, #tpu.memory_space<vmem>>, vector<32x128xf32>
      tpu.vector_store %arg4[%swap3A_413, %swap3A_414], %broadcast_in_dim3A_412 {strides = array<i32>} : memref<32x128xf32, #tpu.memory_space<vmem>>, vector<32x128xf32>,
      %broadcast_in_dim3A_416 = arith.constant 0xFF800000 : f32
      %broadcast_in_dim3A_417 = vector.broadcast %broadcast_in_dim3A_416 : f32 to vector<32x128xf32>
      %swap3A_418 = arith.constant 0 : index
      %swap3A_419 = arith.constant 0 : index
      %swap3A_420 = vector.load %arg5[%swap3A_418, %swap3A_419] : memref<32x128xf32, #tpu.memory_space<vmem>>, vector<32x128xf32>
      tpu.vector_store %arg5[%swap3A_418, %swap3A_419], %broadcast_in_dim3A_417 {strides = array<i32>} : memref<32x128xf32, #tpu.memory_space<vmem>>, vector<32x128xf32>,
    } else {
    }
    %get3A = arith.constant 0 : index
    %get3A_2 = arith.constant 0 : index
    %get3A_3 = vector.load %arg1[%get3A, %get3A_2] : memref<32x8192xf32, #tpu.memory_space<vmem>>, vector<32x8192xf32>
    %get3A_4 = arith.constant 0 : index
    %get3A_5 = arith.constant 0 : index
    %get3A_6 = vector.load %arg3[%get3A_4, %get3A_5] : memref<32x128xf32, #tpu.memory_space<vmem>>, vector<32x128xf32>
    %get3A_7 = arith.constant 0 : index
    %get3A_8 = arith.constant 0 : index
    %get3A_9 = vector.load %arg4[%get3A_7, %get3A_8] : memref<32x128xf32, #tpu.memory_space<vmem>>, vector<32x128xf32>
    %get3A_10 = arith.constant 0 : index
    %get3A_11 = arith.constant 0 : index
    %get3A_12 = vector.load %arg5[%get3A_10, %get3A_11] : memref<32x128xf32, #tpu.memory_space<vmem>>, vector<32x128xf32>
    %slice3A = vector.extract_strided_slice %get3A_3 {offsets = [0, 0], sizes = [32, 128], strides = [1, 1]} : vector<32x8192xf32> to vector<32x128xf32>
    %min3A = arith.minimumf %get3A_6, %slice3A : vector<32x128xf32>
    %max3A = arith.maximumf %get3A_6, %slice3A : vector<32x128xf32>
    %min3A_13 = arith.minimumf %get3A_9, %min3A : vector<32x128xf32>
    %max3A_14 = arith.maximumf %get3A_9, %min3A : vector<32x128xf32>
    %max3A_15 = arith.maximumf %get3A_12, %min3A_13 : vector<32x128xf32>
    %slice3A_16 = vector.extract_strided_slice %get3A_3 {offsets = [0, 128], sizes = [32, 128], strides = [1, 1]} : vector<32x8192xf32> to vector<32x128xf32>
    %min3A_17 = arith.minimumf %max3A, %slice3A_16 : vector<32x128xf32>
    %max3A_18 = arith.maximumf %max3A, %slice3A_16 : vector<32x128xf32>
    %min3A_19 = arith.minimumf %max3A_14, %min3A_17 : vector<32x128xf32>
    %max3A_20 = arith.maximumf %max3A_14, %min3A_17 : vector<32x128xf32>
    %max3A_21 = arith.maximumf %max3A_15, %min3A_19 : vector<32x128xf32>
    %slice3A_22 = vector.extract_strided_slice %get3A_3 {offsets = [0, 256], sizes = [32, 128], strides = [1, 1]} : vector<32x8192xf32> to vector<32x128xf32>
    %min3A_23 = arith.minimumf %max3A_18, %slice3A_22 : vector<32x128xf32>
    %max3A_24 = arith.maximumf %max3A_18, %slice3A_22 : vector<32x128xf32>
    %min3A_25 = arith.minimumf %max3A_20, %min3A_23 : vector<32x128xf32>
    %max3A_26 = arith.maximumf %max3A_20, %min3A_23 : vector<32x128xf32>
    %max3A_27 = arith.maximumf %max3A_21, %min3A_25 : vector<32x128xf32>
    %slice3A_28 = vector.extract_strided_slice %get3A_3 {offsets = [0, 384], sizes = [32, 128], strides = [1, 1]} : vector<32x8192xf32> to vector<32x128xf32>
    %min3A_29 = arith.minimumf %max3A_24, %slice3A_28 : vector<32x128xf32>
    %max3A_30 = arith.maximumf %max3A_24, %slice3A_28 : vector<32x128xf32>
    %min3A_31 = arith.minimumf %max3A_26, %min3A_29 : vector<32x128xf32>
    %max3A_32 = arith.maximumf %max3A_26, %min3A_29 : vector<32x128xf32>
    %max3A_33 = arith.maximumf %max3A_27, %min3A_31 : vector<32x128xf32>
    %slice3A_34 = vector.extract_strided_slice %get3A_3 {offsets = [0, 512], sizes = [32, 128], strides = [1, 1]} : vector<32x8192xf32> to vector<32x128xf32>
    %min3A_35 = arith.minimumf %max3A_30, %slice3A_34 : vector<32x128xf32>
    %max3A_36 = arith.maximumf %max3A_30, %slice3A_34 : vector<32x128xf32>
    %min3A_37 = arith.minimumf %max3A_32, %min3A_35 : vector<32x128xf32>
    %max3A_38 = arith.maximumf %max3A_32, %min3A_35 : vector<32x128xf32>
    %max3A_39 = arith.maximumf %max3A_33, %min3A_37 : vector<32x128xf32>
    %slice3A_40 = vector.extract_strided_slice %get3A_3 {offsets = [0, 640], sizes = [32, 128], strides = [1, 1]} : vector<32x8192xf32> to vector<32x128xf32>
    %min3A_41 = arith.minimumf %max3A_36, %slice3A_40 : vector<32x128xf32>
    %max3A_42 = arith.maximumf %max3A_36, %slice3A_40 : vector<32x128xf32>
    %min3A_43 = arith.minimumf %max3A_38, %min3A_41 : vector<32x128xf32>
    %max3A_44 = arith.maximumf %max3A_38, %min3A_41 : vector<32x128xf32>
    %max3A_45 = arith.maximumf %max3A_39, %min3A_43 : vector<32x128xf32>
    %slice3A_46 = vector.extract_strided_slice %get3A_3 {offsets = [0, 768], sizes = [32, 128], strides = [1, 1]} : vector<32x8192xf32> to vector<32x128xf32>
    %min3A_47 = arith.minimumf %max3A_42, %slice3A_46 : vector<32x128xf32>
    %max3A_48 = arith.maximumf %max3A_42, %slice3A_46 : vector<32x128xf32>
    %min3A_49 = arith.minimumf %max3A_44, %min3A_47 : vector<32x128xf32>
    %max3A_50 = arith.maximumf %max3A_44, %min3A_47 : vector<32x128xf32>
    %max3A_51 = arith.maximumf %max3A_45, %min3A_49 : vector<32x128xf32>
    %slice3A_52 = vector.extract_strided_slice %get3A_3 {offsets = [0, 896], sizes = [32, 128], strides = [1, 1]} : vector<32x8192xf32> to vector<32x128xf32>
    %min3A_53 = arith.minimumf %max3A_48, %slice3A_52 : vector<32x128xf32>
    %max3A_54 = arith.maximumf %max3A_48, %slice3A_52 : vector<32x128xf32>
    %min3A_55 = arith.minimumf %max3A_50, %min3A_53 : vector<32x128xf32>
    %max3A_56 = arith.maximumf %max3A_50, %min3A_53 : vector<32x128xf32>
    %max3A_57 = arith.maximumf %max3A_51, %min3A_55 : vector<32x128xf32>
    %slice3A_58 = vector.extract_strided_slice %get3A_3 {offsets = [0, 1024], sizes = [32, 128], strides = [1, 1]} : vector<32x8192xf32> to vector<32x128xf32>
    %min3A_59 = arith.minimumf %max3A_54, %slice3A_58 : vector<32x128xf32>
    %max3A_60 = arith.maximumf %max3A_54, %slice3A_58 : vector<32x128xf32>
    %min3A_61 = arith.minimumf %max3A_56, %min3A_59 : vector<32x128xf32>
    %max3A_62 = arith.maximumf %max3A_56, %min3A_59 : vector<32x128xf32>
    %max3A_63 = arith.maximumf %max3A_57, %min3A_61 : vector<32x128xf32>
    %slice3A_64 = vector.extract_strided_slice %get3A_3 {offsets = [0, 1152], sizes = [32, 128], strides = [1, 1]} : vector<32x8192xf32> to vector<32x128xf32>
    %min3A_65 = arith.minimumf %max3A_60, %slice3A_64 : vector<32x128xf32>
    %max3A_66 = arith.maximumf %max3A_60, %slice3A_64 : vector<32x128xf32>
    %min3A_67 = arith.minimumf %max3A_62, %min3A_65 : vector<32x128xf32>
    %max3A_68 = arith.maximumf %max3A_62, %min3A_65 : vector<32x128xf32>
    %max3A_69 = arith.maximumf %max3A_63, %min3A_67 : vector<32x128xf32>
    %slice3A_70 = vector.extract_strided_slice %get3A_3 {offsets = [0, 1280], sizes = [32, 128], strides = [1, 1]} : vector<32x8192xf32> to vector<32x128xf32>
    %min3A_71 = arith.minimumf %max3A_66, %slice3A_70 : vector<32x128xf32>
    %max3A_72 = arith.maximumf %max3A_66, %slice3A_70 : vector<32x128xf32>
    %min3A_73 = arith.minimumf %max3A_68, %min3A_71 : vector<32x128xf32>
    %max3A_74 = arith.maximumf %max3A_68, %min3A_71 : vector<32x128xf32>
    %max3A_75 = arith.maximumf %max3A_69, %min3A_73 : vector<32x128xf32>
    %slice3A_76 = vector.extract_strided_slice %get3A_3 {offsets = [0, 1408], sizes = [32, 128], strides = [1, 1]} : vector<32x8192xf32> to vector<32x128xf32>
    %min3A_77 = arith.minimumf %max3A_72, %slice3A_76 : vector<32x128xf32>
    %max3A_78 = arith.maximumf %max3A_72, %slice3A_76 : vector<32x128xf32>
    %min3A_79 = arith.minimumf %max3A_74, %min3A_77 : vector<32x128xf32>
    %max3A_80 = arith.maximumf %max3A_74, %min3A_77 : vector<32x128xf32>
    %max3A_81 = arith.maximumf %max3A_75, %min3A_79 : vector<32x128xf32>
    %slice3A_82 = vector.extract_strided_slice %get3A_3 {offsets = [0, 1536], sizes = [32, 128], strides = [1, 1]} : vector<32x8192xf32> to vector<32x128xf32>
    %min3A_83 = arith.minimumf %max3A_78, %slice3A_82 : vector<32x128xf32>
    %max3A_84 = arith.maximumf %max3A_78, %slice3A_82 : vector<32x128xf32>
    %min3A_85 = arith.minimumf %max3A_80, %min3A_83 : vector<32x128xf32>
    %max3A_86 = arith.maximumf %max3A_80, %min3A_83 : vector<32x128xf32>
    %max3A_87 = arith.maximumf %max3A_81, %min3A_85 : vector<32x128xf32>
    %slice3A_88 = vector.extract_strided_slice %get3A_3 {offsets = [0, 1664], sizes = [32, 128], strides = [1, 1]} : vector<32x8192xf32> to vector<32x128xf32>
    %min3A_89 = arith.minimumf %max3A_84, %slice3A_88 : vector<32x128xf32>
    %max3A_90 = arith.maximumf %max3A_84, %slice3A_88 : vector<32x128xf32>
    %min3A_91 = arith.minimumf %max3A_86, %min3A_89 : vector<32x128xf32>
    %max3A_92 = arith.maximumf %max3A_86, %min3A_89 : vector<32x128xf32>
    %max3A_93 = arith.maximumf %max3A_87, %min3A_91 : vector<32x128xf32>
    %slice3A_94 = vector.extract_strided_slice %get3A_3 {offsets = [0, 1792], sizes = [32, 128], strides = [1, 1]} : vector<32x8192xf32> to vector<32x128xf32>
    %min3A_95 = arith.minimumf %max3A_90, %slice3A_94 : vector<32x128xf32>
    %max3A_96 = arith.maximumf %max3A_90, %slice3A_94 : vector<32x128xf32>
    %min3A_97 = arith.minimumf %max3A_92, %min3A_95 : vector<32x128xf32>
    %max3A_98 = arith.maximumf %max3A_92, %min3A_95 : vector<32x128xf32>
    %max3A_99 = arith.maximumf %max3A_93, %min3A_97 : vector<32x128xf32>
    %slice3A_100 = vector.extract_strided_slice %get3A_3 {offsets = [0, 1920], sizes = [32, 128], strides = [1, 1]} : vector<32x8192xf32> to vector<32x128xf32>
    %min3A_101 = arith.minimumf %max3A_96, %slice3A_100 : vector<32x128xf32>
    %max3A_102 = arith.maximumf %max3A_96, %slice3A_100 : vector<32x128xf32>
    %min3A_103 = arith.minimumf %max3A_98, %min3A_101 : vector<32x128xf32>
    %max3A_104 = arith.maximumf %max3A_98, %min3A_101 : vector<32x128xf32>
    %max3A_105 = arith.maximumf %max3A_99, %min3A_103 : vector<32x128xf32>
    %slice3A_106 = vector.extract_strided_slice %get3A_3 {offsets = [0, 2048], sizes = [32, 128], strides = [1, 1]} : vector<32x8192xf32> to vector<32x128xf32>
    %min3A_107 = arith.minimumf %max3A_102, %slice3A_106 : vector<32x128xf32>
    %max3A_108 = arith.maximumf %max3A_102, %slice3A_106 : vector<32x128xf32>
    %min3A_109 = arith.minimumf %max3A_104, %min3A_107 : vector<32x128xf32>
    %max3A_110 = arith.maximumf %max3A_104, %min3A_107 : vector<32x128xf32>
    %max3A_111 = arith.maximumf %max3A_105, %min3A_109 : vector<32x128xf32>
    %slice3A_112 = vector.extract_strided_slice %get3A_3 {offsets = [0, 2176], sizes = [32, 128], strides = [1, 1]} : vector<32x8192xf32> to vector<32x128xf32>
    %min3A_113 = arith.minimumf %max3A_108, %slice3A_112 : vector<32x128xf32>
    %max3A_114 = arith.maximumf %max3A_108, %slice3A_112 : vector<32x128xf32>
    %min3A_115 = arith.minimumf %max3A_110, %min3A_113 : vector<32x128xf32>
    %max3A_116 = arith.maximumf %max3A_110, %min3A_113 : vector<32x128xf32>
    %max3A_117 = arith.maximumf %max3A_111, %min3A_115 : vector<32x128xf32>
    %slice3A_118 = vector.extract_strided_slice %get3A_3 {offsets = [0, 2304], sizes = [32, 128], strides = [1, 1]} : vector<32x8192xf32> to vector<32x128xf32>
    %min3A_119 = arith.minimumf %max3A_114, %slice3A_118 : vector<32x128xf32>
    %max3A_120 = arith.maximumf %max3A_114, %slice3A_118 : vector<32x128xf32>
    %min3A_121 = arith.minimumf %max3A_116, %min3A_119 : vector<32x128xf32>
    %max3A_122 = arith.maximumf %max3A_116, %min3A_119 : vector<32x128xf32>
    %max3A_123 = arith.maximumf %max3A_117, %min3A_121 : vector<32x128xf32>
    %slice3A_124 = vector.extract_strided_slice %get3A_3 {offsets = [0, 2432], sizes = [32, 128], strides = [1, 1]} : vector<32x8192xf32> to vector<32x128xf32>
    %min3A_125 = arith.minimumf %max3A_120, %slice3A_124 : vector<32x128xf32>
    %max3A_126 = arith.maximumf %max3A_120, %slice3A_124 : vector<32x128xf32>
    %min3A_127 = arith.minimumf %max3A_122, %min3A_125 : vector<32x128xf32>
    %max3A_128 = arith.maximumf %max3A_122, %min3A_125 : vector<32x128xf32>
    %max3A_129 = arith.maximumf %max3A_123, %min3A_127 : vector<32x128xf32>
    %slice3A_130 = vector.extract_strided_slice %get3A_3 {offsets = [0, 2560], sizes = [32, 128], strides = [1, 1]} : vector<32x8192xf32> to vector<32x128xf32>
    %min3A_131 = arith.minimumf %max3A_126, %slice3A_130 : vector<32x128xf32>
    %max3A_132 = arith.maximumf %max3A_126, %slice3A_130 : vector<32x128xf32>
    %min3A_133 = arith.minimumf %max3A_128, %min3A_131 : vector<32x128xf32>
    %max3A_134 = arith.maximumf %max3A_128, %min3A_131 : vector<32x128xf32>
    %max3A_135 = arith.maximumf %max3A_129, %min3A_133 : vector<32x128xf32>
    %slice3A_136 = vector.extract_strided_slice %get3A_3 {offsets = [0, 2688], sizes = [32, 128], strides = [1, 1]} : vector<32x8192xf32> to vector<32x128xf32>
    %min3A_137 = arith.minimumf %max3A_132, %slice3A_136 : vector<32x128xf32>
    %max3A_138 = arith.maximumf %max3A_132, %slice3A_136 : vector<32x128xf32>
    %min3A_139 = arith.minimumf %max3A_134, %min3A_137 : vector<32x128xf32>
    %max3A_140 = arith.maximumf %max3A_134, %min3A_137 : vector<32x128xf32>
    %max3A_141 = arith.maximumf %max3A_135, %min3A_139 : vector<32x128xf32>
    %slice3A_142 = vector.extract_strided_slice %get3A_3 {offsets = [0, 2816], sizes = [32, 128], strides = [1, 1]} : vector<32x8192xf32> to vector<32x128xf32>
    %min3A_143 = arith.minimumf %max3A_138, %slice3A_142 : vector<32x128xf32>
    %max3A_144 = arith.maximumf %max3A_138, %slice3A_142 : vector<32x128xf32>
    %min3A_145 = arith.minimumf %max3A_140, %min3A_143 : vector<32x128xf32>
    %max3A_146 = arith.maximumf %max3A_140, %min3A_143 : vector<32x128xf32>
    %max3A_147 = arith.maximumf %max3A_141, %min3A_145 : vector<32x128xf32>
    %slice3A_148 = vector.extract_strided_slice %get3A_3 {offsets = [0, 2944], sizes = [32, 128], strides = [1, 1]} : vector<32x8192xf32> to vector<32x128xf32>
    %min3A_149 = arith.minimumf %max3A_144, %slice3A_148 : vector<32x128xf32>
    %max3A_150 = arith.maximumf %max3A_144, %slice3A_148 : vector<32x128xf32>
    %min3A_151 = arith.minimumf %max3A_146, %min3A_149 : vector<32x128xf32>
    %max3A_152 = arith.maximumf %max3A_146, %min3A_149 : vector<32x128xf32>
    %max3A_153 = arith.maximumf %max3A_147, %min3A_151 : vector<32x128xf32>
    %slice3A_154 = vector.extract_strided_slice %get3A_3 {offsets = [0, 3072], sizes = [32, 128], strides = [1, 1]} : vector<32x8192xf32> to vector<32x128xf32>
    %min3A_155 = arith.minimumf %max3A_150, %slice3A_154 : vector<32x128xf32>
    %max3A_156 = arith.maximumf %max3A_150, %slice3A_154 : vector<32x128xf32>
    %min3A_157 = arith.minimumf %max3A_152, %min3A_155 : vector<32x128xf32>
    %max3A_158 = arith.maximumf %max3A_152, %min3A_155 : vector<32x128xf32>
    %max3A_159 = arith.maximumf %max3A_153, %min3A_157 : vector<32x128xf32>
    %slice3A_160 = vector.extract_strided_slice %get3A_3 {offsets = [0, 3200], sizes = [32, 128], strides = [1, 1]} : vector<32x8192xf32> to vector<32x128xf32>
    %min3A_161 = arith.minimumf %max3A_156, %slice3A_160 : vector<32x128xf32>
    %max3A_162 = arith.maximumf %max3A_156, %slice3A_160 : vector<32x128xf32>
    %min3A_163 = arith.minimumf %max3A_158, %min3A_161 : vector<32x128xf32>
    %max3A_164 = arith.maximumf %max3A_158, %min3A_161 : vector<32x128xf32>
    %max3A_165 = arith.maximumf %max3A_159, %min3A_163 : vector<32x128xf32>
    %slice3A_166 = vector.extract_strided_slice %get3A_3 {offsets = [0, 3328], sizes = [32, 128], strides = [1, 1]} : vector<32x8192xf32> to vector<32x128xf32>
    %min3A_167 = arith.minimumf %max3A_162, %slice3A_166 : vector<32x128xf32>
    %max3A_168 = arith.maximumf %max3A_162, %slice3A_166 : vector<32x128xf32>
    %min3A_169 = arith.minimumf %max3A_164, %min3A_167 : vector<32x128xf32>
    %max3A_170 = arith.maximumf %max3A_164, %min3A_167 : vector<32x128xf32>
    %max3A_171 = arith.maximumf %max3A_165, %min3A_169 : vector<32x128xf32>
    %slice3A_172 = vector.extract_strided_slice %get3A_3 {offsets = [0, 3456], sizes = [32, 128], strides = [1, 1]} : vector<32x8192xf32> to vector<32x128xf32>
    %min3A_173 = arith.minimumf %max3A_168, %slice3A_172 : vector<32x128xf32>
    %max3A_174 = arith.maximumf %max3A_168, %slice3A_172 : vector<32x128xf32>
    %min3A_175 = arith.minimumf %max3A_170, %min3A_173 : vector<32x128xf32>
    %max3A_176 = arith.maximumf %max3A_170, %min3A_173 : vector<32x128xf32>
    %max3A_177 = arith.maximumf %max3A_171, %min3A_175 : vector<32x128xf32>
    %slice3A_178 = vector.extract_strided_slice %get3A_3 {offsets = [0, 3584], sizes = [32, 128], strides = [1, 1]} : vector<32x8192xf32> to vector<32x128xf32>
    %min3A_179 = arith.minimumf %max3A_174, %slice3A_178 : vector<32x128xf32>
    %max3A_180 = arith.maximumf %max3A_174, %slice3A_178 : vector<32x128xf32>
    %min3A_181 = arith.minimumf %max3A_176, %min3A_179 : vector<32x128xf32>
    %max3A_182 = arith.maximumf %max3A_176, %min3A_179 : vector<32x128xf32>
    %max3A_183 = arith.maximumf %max3A_177, %min3A_181 : vector<32x128xf32>
    %slice3A_184 = vector.extract_strided_slice %get3A_3 {offsets = [0, 3712], sizes = [32, 128], strides = [1, 1]} : vector<32x8192xf32> to vector<32x128xf32>
    %min3A_185 = arith.minimumf %max3A_180, %slice3A_184 : vector<32x128xf32>
    %max3A_186 = arith.maximumf %max3A_180, %slice3A_184 : vector<32x128xf32>
    %min3A_187 = arith.minimumf %max3A_182, %min3A_185 : vector<32x128xf32>
    %max3A_188 = arith.maximumf %max3A_182, %min3A_185 : vector<32x128xf32>
    %max3A_189 = arith.maximumf %max3A_183, %min3A_187 : vector<32x128xf32>
    %slice3A_190 = vector.extract_strided_slice %get3A_3 {offsets = [0, 3840], sizes = [32, 128], strides = [1, 1]} : vector<32x8192xf32> to vector<32x128xf32>
    %min3A_191 = arith.minimumf %max3A_186, %slice3A_190 : vector<32x128xf32>
    %max3A_192 = arith.maximumf %max3A_186, %slice3A_190 : vector<32x128xf32>
    %min3A_193 = arith.minimumf %max3A_188, %min3A_191 : vector<32x128xf32>
    %max3A_194 = arith.maximumf %max3A_188, %min3A_191 : vector<32x128xf32>
    %max3A_195 = arith.maximumf %max3A_189, %min3A_193 : vector<32x128xf32>
    %slice3A_196 = vector.extract_strided_slice %get3A_3 {offsets = [0, 3968], sizes = [32, 128], strides = [1, 1]} : vector<32x8192xf32> to vector<32x128xf32>
    %min3A_197 = arith.minimumf %max3A_192, %slice3A_196 : vector<32x128xf32>
    %max3A_198 = arith.maximumf %max3A_192, %slice3A_196 : vector<32x128xf32>
    %min3A_199 = arith.minimumf %max3A_194, %min3A_197 : vector<32x128xf32>
    %max3A_200 = arith.maximumf %max3A_194, %min3A_197 : vector<32x128xf32>
    %max3A_201 = arith.maximumf %max3A_195, %min3A_199 : vector<32x128xf32>
    %slice3A_202 = vector.extract_strided_slice %get3A_3 {offsets = [0, 4096], sizes = [32, 128], strides = [1, 1]} : vector<32x8192xf32> to vector<32x128xf32>
    %min3A_203 = arith.minimumf %max3A_198, %slice3A_202 : vector<32x128xf32>
    %max3A_204 = arith.maximumf %max3A_198, %slice3A_202 : vector<32x128xf32>
    %min3A_205 = arith.minimumf %max3A_200, %min3A_203 : vector<32x128xf32>
    %max3A_206 = arith.maximumf %max3A_200, %min3A_203 : vector<32x128xf32>
    %max3A_207 = arith.maximumf %max3A_201, %min3A_205 : vector<32x128xf32>
    %slice3A_208 = vector.extract_strided_slice %get3A_3 {offsets = [0, 4224], sizes = [32, 128], strides = [1, 1]} : vector<32x8192xf32> to vector<32x128xf32>
    %min3A_209 = arith.minimumf %max3A_204, %slice3A_208 : vector<32x128xf32>
    %max3A_210 = arith.maximumf %max3A_204, %slice3A_208 : vector<32x128xf32>
    %min3A_211 = arith.minimumf %max3A_206, %min3A_209 : vector<32x128xf32>
    %max3A_212 = arith.maximumf %max3A_206, %min3A_209 : vector<32x128xf32>
    %max3A_213 = arith.maximumf %max3A_207, %min3A_211 : vector<32x128xf32>
    %slice3A_214 = vector.extract_strided_slice %get3A_3 {offsets = [0, 4352], sizes = [32, 128], strides = [1, 1]} : vector<32x8192xf32> to vector<32x128xf32>
    %min3A_215 = arith.minimumf %max3A_210, %slice3A_214 : vector<32x128xf32>
    %max3A_216 = arith.maximumf %max3A_210, %slice3A_214 : vector<32x128xf32>
    %min3A_217 = arith.minimumf %max3A_212, %min3A_215 : vector<32x128xf32>
    %max3A_218 = arith.maximumf %max3A_212, %min3A_215 : vector<32x128xf32>
    %max3A_219 = arith.maximumf %max3A_213, %min3A_217 : vector<32x128xf32>
    %slice3A_220 = vector.extract_strided_slice %get3A_3 {offsets = [0, 4480], sizes = [32, 128], strides = [1, 1]} : vector<32x8192xf32> to vector<32x128xf32>
    %min3A_221 = arith.minimumf %max3A_216, %slice3A_220 : vector<32x128xf32>
    %max3A_222 = arith.maximumf %max3A_216, %slice3A_220 : vector<32x128xf32>
    %min3A_223 = arith.minimumf %max3A_218, %min3A_221 : vector<32x128xf32>
    %max3A_224 = arith.maximumf %max3A_218, %min3A_221 : vector<32x128xf32>
    %max3A_225 = arith.maximumf %max3A_219, %min3A_223 : vector<32x128xf32>
    %slice3A_226 = vector.extract_strided_slice %get3A_3 {offsets = [0, 4608], sizes = [32, 128], strides = [1, 1]} : vector<32x8192xf32> to vector<32x128xf32>
    %min3A_227 = arith.minimumf %max3A_222, %slice3A_226 : vector<32x128xf32>
    %max3A_228 = arith.maximumf %max3A_222, %slice3A_226 : vector<32x128xf32>
    %min3A_229 = arith.minimumf %max3A_224, %min3A_227 : vector<32x128xf32>
    %max3A_230 = arith.maximumf %max3A_224, %min3A_227 : vector<32x128xf32>
    %max3A_231 = arith.maximumf %max3A_225, %min3A_229 : vector<32x128xf32>
    %slice3A_232 = vector.extract_strided_slice %get3A_3 {offsets = [0, 4736], sizes = [32, 128], strides = [1, 1]} : vector<32x8192xf32> to vector<32x128xf32>
    %min3A_233 = arith.minimumf %max3A_228, %slice3A_232 : vector<32x128xf32>
    %max3A_234 = arith.maximumf %max3A_228, %slice3A_232 : vector<32x128xf32>
    %min3A_235 = arith.minimumf %max3A_230, %min3A_233 : vector<32x128xf32>
    %max3A_236 = arith.maximumf %max3A_230, %min3A_233 : vector<32x128xf32>
    %max3A_237 = arith.maximumf %max3A_231, %min3A_235 : vector<32x128xf32>
    %slice3A_238 = vector.extract_strided_slice %get3A_3 {offsets = [0, 4864], sizes = [32, 128], strides = [1, 1]} : vector<32x8192xf32> to vector<32x128xf32>
    %min3A_239 = arith.minimumf %max3A_234, %slice3A_238 : vector<32x128xf32>
    %max3A_240 = arith.maximumf %max3A_234, %slice3A_238 : vector<32x128xf32>
    %min3A_241 = arith.minimumf %max3A_236, %min3A_239 : vector<32x128xf32>
    %max3A_242 = arith.maximumf %max3A_236, %min3A_239 : vector<32x128xf32>
    %max3A_243 = arith.maximumf %max3A_237, %min3A_241 : vector<32x128xf32>
    %slice3A_244 = vector.extract_strided_slice %get3A_3 {offsets = [0, 4992], sizes = [32, 128], strides = [1, 1]} : vector<32x8192xf32> to vector<32x128xf32>
    %min3A_245 = arith.minimumf %max3A_240, %slice3A_244 : vector<32x128xf32>
    %max3A_246 = arith.maximumf %max3A_240, %slice3A_244 : vector<32x128xf32>
    %min3A_247 = arith.minimumf %max3A_242, %min3A_245 : vector<32x128xf32>
    %max3A_248 = arith.maximumf %max3A_242, %min3A_245 : vector<32x128xf32>
    %max3A_249 = arith.maximumf %max3A_243, %min3A_247 : vector<32x128xf32>
    %slice3A_250 = vector.extract_strided_slice %get3A_3 {offsets = [0, 5120], sizes = [32, 128], strides = [1, 1]} : vector<32x8192xf32> to vector<32x128xf32>
    %min3A_251 = arith.minimumf %max3A_246, %slice3A_250 : vector<32x128xf32>
    %max3A_252 = arith.maximumf %max3A_246, %slice3A_250 : vector<32x128xf32>
    %min3A_253 = arith.minimumf %max3A_248, %min3A_251 : vector<32x128xf32>
    %max3A_254 = arith.maximumf %max3A_248, %min3A_251 : vector<32x128xf32>
    %max3A_255 = arith.maximumf %max3A_249, %min3A_253 : vector<32x128xf32>
    %slice3A_256 = vector.extract_strided_slice %get3A_3 {offsets = [0, 5248], sizes = [32, 128], strides = [1, 1]} : vector<32x8192xf32> to vector<32x128xf32>
    %min3A_257 = arith.minimumf %max3A_252, %slice3A_256 : vector<32x128xf32>
    %max3A_258 = arith.maximumf %max3A_252, %slice3A_256 : vector<32x128xf32>
    %min3A_259 = arith.minimumf %max3A_254, %min3A_257 : vector<32x128xf32>
    %max3A_260 = arith.maximumf %max3A_254, %min3A_257 : vector<32x128xf32>
    %max3A_261 = arith.maximumf %max3A_255, %min3A_259 : vector<32x128xf32>
    %slice3A_262 = vector.extract_strided_slice %get3A_3 {offsets = [0, 5376], sizes = [32, 128], strides = [1, 1]} : vector<32x8192xf32> to vector<32x128xf32>
    %min3A_263 = arith.minimumf %max3A_258, %slice3A_262 : vector<32x128xf32>
    %max3A_264 = arith.maximumf %max3A_258, %slice3A_262 : vector<32x128xf32>
    %min3A_265 = arith.minimumf %max3A_260, %min3A_263 : vector<32x128xf32>
    %max3A_266 = arith.maximumf %max3A_260, %min3A_263 : vector<32x128xf32>
    %max3A_267 = arith.maximumf %max3A_261, %min3A_265 : vector<32x128xf32>
    %slice3A_268 = vector.extract_strided_slice %get3A_3 {offsets = [0, 5504], sizes = [32, 128], strides = [1, 1]} : vector<32x8192xf32> to vector<32x128xf32>
    %min3A_269 = arith.minimumf %max3A_264, %slice3A_268 : vector<32x128xf32>
    %max3A_270 = arith.maximumf %max3A_264, %slice3A_268 : vector<32x128xf32>
    %min3A_271 = arith.minimumf %max3A_266, %min3A_269 : vector<32x128xf32>
    %max3A_272 = arith.maximumf %max3A_266, %min3A_269 : vector<32x128xf32>
    %max3A_273 = arith.maximumf %max3A_267, %min3A_271 : vector<32x128xf32>
    %slice3A_274 = vector.extract_strided_slice %get3A_3 {offsets = [0, 5632], sizes = [32, 128], strides = [1, 1]} : vector<32x8192xf32> to vector<32x128xf32>
    %min3A_275 = arith.minimumf %max3A_270, %slice3A_274 : vector<32x128xf32>
    %max3A_276 = arith.maximumf %max3A_270, %slice3A_274 : vector<32x128xf32>
    %min3A_277 = arith.minimumf %max3A_272, %min3A_275 : vector<32x128xf32>
    %max3A_278 = arith.maximumf %max3A_272, %min3A_275 : vector<32x128xf32>
    %max3A_279 = arith.maximumf %max3A_273, %min3A_277 : vector<32x128xf32>
    %slice3A_280 = vector.extract_strided_slice %get3A_3 {offsets = [0, 5760], sizes = [32, 128], strides = [1, 1]} : vector<32x8192xf32> to vector<32x128xf32>
    %min3A_281 = arith.minimumf %max3A_276, %slice3A_280 : vector<32x128xf32>
    %max3A_282 = arith.maximumf %max3A_276, %slice3A_280 : vector<32x128xf32>
    %min3A_283 = arith.minimumf %max3A_278, %min3A_281 : vector<32x128xf32>
    %max3A_284 = arith.maximumf %max3A_278, %min3A_281 : vector<32x128xf32>
    %max3A_285 = arith.maximumf %max3A_279, %min3A_283 : vector<32x128xf32>
    %slice3A_286 = vector.extract_strided_slice %get3A_3 {offsets = [0, 5888], sizes = [32, 128], strides = [1, 1]} : vector<32x8192xf32> to vector<32x128xf32>
    %min3A_287 = arith.minimumf %max3A_282, %slice3A_286 : vector<32x128xf32>
    %max3A_288 = arith.maximumf %max3A_282, %slice3A_286 : vector<32x128xf32>
    %min3A_289 = arith.minimumf %max3A_284, %min3A_287 : vector<32x128xf32>
    %max3A_290 = arith.maximumf %max3A_284, %min3A_287 : vector<32x128xf32>
    %max3A_291 = arith.maximumf %max3A_285, %min3A_289 : vector<32x128xf32>
    %slice3A_292 = vector.extract_strided_slice %get3A_3 {offsets = [0, 6016], sizes = [32, 128], strides = [1, 1]} : vector<32x8192xf32> to vector<32x128xf32>
    %min3A_293 = arith.minimumf %max3A_288, %slice3A_292 : vector<32x128xf32>
    %max3A_294 = arith.maximumf %max3A_288, %slice3A_292 : vector<32x128xf32>
    %min3A_295 = arith.minimumf %max3A_290, %min3A_293 : vector<32x128xf32>
    %max3A_296 = arith.maximumf %max3A_290, %min3A_293 : vector<32x128xf32>
    %max3A_297 = arith.maximumf %max3A_291, %min3A_295 : vector<32x128xf32>
    %slice3A_298 = vector.extract_strided_slice %get3A_3 {offsets = [0, 6144], sizes = [32, 128], strides = [1, 1]} : vector<32x8192xf32> to vector<32x128xf32>
    %min3A_299 = arith.minimumf %max3A_294, %slice3A_298 : vector<32x128xf32>
    %max3A_300 = arith.maximumf %max3A_294, %slice3A_298 : vector<32x128xf32>
    %min3A_301 = arith.minimumf %max3A_296, %min3A_299 : vector<32x128xf32>
    %max3A_302 = arith.maximumf %max3A_296, %min3A_299 : vector<32x128xf32>
    %max3A_303 = arith.maximumf %max3A_297, %min3A_301 : vector<32x128xf32>
    %slice3A_304 = vector.extract_strided_slice %get3A_3 {offsets = [0, 6272], sizes = [32, 128], strides = [1, 1]} : vector<32x8192xf32> to vector<32x128xf32>
    %min3A_305 = arith.minimumf %max3A_300, %slice3A_304 : vector<32x128xf32>
    %max3A_306 = arith.maximumf %max3A_300, %slice3A_304 : vector<32x128xf32>
    %min3A_307 = arith.minimumf %max3A_302, %min3A_305 : vector<32x128xf32>
    %max3A_308 = arith.maximumf %max3A_302, %min3A_305 : vector<32x128xf32>
    %max3A_309 = arith.maximumf %max3A_303, %min3A_307 : vector<32x128xf32>
    %slice3A_310 = vector.extract_strided_slice %get3A_3 {offsets = [0, 6400], sizes = [32, 128], strides = [1, 1]} : vector<32x8192xf32> to vector<32x128xf32>
    %min3A_311 = arith.minimumf %max3A_306, %slice3A_310 : vector<32x128xf32>
    %max3A_312 = arith.maximumf %max3A_306, %slice3A_310 : vector<32x128xf32>
    %min3A_313 = arith.minimumf %max3A_308, %min3A_311 : vector<32x128xf32>
    %max3A_314 = arith.maximumf %max3A_308, %min3A_311 : vector<32x128xf32>
    %max3A_315 = arith.maximumf %max3A_309, %min3A_313 : vector<32x128xf32>
    %slice3A_316 = vector.extract_strided_slice %get3A_3 {offsets = [0, 6528], sizes = [32, 128], strides = [1, 1]} : vector<32x8192xf32> to vector<32x128xf32>
    %min3A_317 = arith.minimumf %max3A_312, %slice3A_316 : vector<32x128xf32>
    %max3A_318 = arith.maximumf %max3A_312, %slice3A_316 : vector<32x128xf32>
    %min3A_319 = arith.minimumf %max3A_314, %min3A_317 : vector<32x128xf32>
    %max3A_320 = arith.maximumf %max3A_314, %min3A_317 : vector<32x128xf32>
    %max3A_321 = arith.maximumf %max3A_315, %min3A_319 : vector<32x128xf32>
    %slice3A_322 = vector.extract_strided_slice %get3A_3 {offsets = [0, 6656], sizes = [32, 128], strides = [1, 1]} : vector<32x8192xf32> to vector<32x128xf32>
    %min3A_323 = arith.minimumf %max3A_318, %slice3A_322 : vector<32x128xf32>
    %max3A_324 = arith.maximumf %max3A_318, %slice3A_322 : vector<32x128xf32>
    %min3A_325 = arith.minimumf %max3A_320, %min3A_323 : vector<32x128xf32>
    %max3A_326 = arith.maximumf %max3A_320, %min3A_323 : vector<32x128xf32>
    %max3A_327 = arith.maximumf %max3A_321, %min3A_325 : vector<32x128xf32>
    %slice3A_328 = vector.extract_strided_slice %get3A_3 {offsets = [0, 6784], sizes = [32, 128], strides = [1, 1]} : vector<32x8192xf32> to vector<32x128xf32>
    %min3A_329 = arith.minimumf %max3A_324, %slice3A_328 : vector<32x128xf32>
    %max3A_330 = arith.maximumf %max3A_324, %slice3A_328 : vector<32x128xf32>
    %min3A_331 = arith.minimumf %max3A_326, %min3A_329 : vector<32x128xf32>
    %max3A_332 = arith.maximumf %max3A_326, %min3A_329 : vector<32x128xf32>
    %max3A_333 = arith.maximumf %max3A_327, %min3A_331 : vector<32x128xf32>
    %slice3A_334 = vector.extract_strided_slice %get3A_3 {offsets = [0, 6912], sizes = [32, 128], strides = [1, 1]} : vector<32x8192xf32> to vector<32x128xf32>
    %min3A_335 = arith.minimumf %max3A_330, %slice3A_334 : vector<32x128xf32>
    %max3A_336 = arith.maximumf %max3A_330, %slice3A_334 : vector<32x128xf32>
    %min3A_337 = arith.minimumf %max3A_332, %min3A_335 : vector<32x128xf32>
    %max3A_338 = arith.maximumf %max3A_332, %min3A_335 : vector<32x128xf32>
    %max3A_339 = arith.maximumf %max3A_333, %min3A_337 : vector<32x128xf32>
    %slice3A_340 = vector.extract_strided_slice %get3A_3 {offsets = [0, 7040], sizes = [32, 128], strides = [1, 1]} : vector<32x8192xf32> to vector<32x128xf32>
    %min3A_341 = arith.minimumf %max3A_336, %slice3A_340 : vector<32x128xf32>
    %max3A_342 = arith.maximumf %max3A_336, %slice3A_340 : vector<32x128xf32>
    %min3A_343 = arith.minimumf %max3A_338, %min3A_341 : vector<32x128xf32>
    %max3A_344 = arith.maximumf %max3A_338, %min3A_341 : vector<32x128xf32>
    %max3A_345 = arith.maximumf %max3A_339, %min3A_343 : vector<32x128xf32>
    %slice3A_346 = vector.extract_strided_slice %get3A_3 {offsets = [0, 7168], sizes = [32, 128], strides = [1, 1]} : vector<32x8192xf32> to vector<32x128xf32>
    %min3A_347 = arith.minimumf %max3A_342, %slice3A_346 : vector<32x128xf32>
    %max3A_348 = arith.maximumf %max3A_342, %slice3A_346 : vector<32x128xf32>
    %min3A_349 = arith.minimumf %max3A_344, %min3A_347 : vector<32x128xf32>
    %max3A_350 = arith.maximumf %max3A_344, %min3A_347 : vector<32x128xf32>
    %max3A_351 = arith.maximumf %max3A_345, %min3A_349 : vector<32x128xf32>
    %slice3A_352 = vector.extract_strided_slice %get3A_3 {offsets = [0, 7296], sizes = [32, 128], strides = [1, 1]} : vector<32x8192xf32> to vector<32x128xf32>
    %min3A_353 = arith.minimumf %max3A_348, %slice3A_352 : vector<32x128xf32>
    %max3A_354 = arith.maximumf %max3A_348, %slice3A_352 : vector<32x128xf32>
    %min3A_355 = arith.minimumf %max3A_350, %min3A_353 : vector<32x128xf32>
    %max3A_356 = arith.maximumf %max3A_350, %min3A_353 : vector<32x128xf32>
    %max3A_357 = arith.maximumf %max3A_351, %min3A_355 : vector<32x128xf32>
    %slice3A_358 = vector.extract_strided_slice %get3A_3 {offsets = [0, 7424], sizes = [32, 128], strides = [1, 1]} : vector<32x8192xf32> to vector<32x128xf32>
    %min3A_359 = arith.minimumf %max3A_354, %slice3A_358 : vector<32x128xf32>
    %max3A_360 = arith.maximumf %max3A_354, %slice3A_358 : vector<32x128xf32>
    %min3A_361 = arith.minimumf %max3A_356, %min3A_359 : vector<32x128xf32>
    %max3A_362 = arith.maximumf %max3A_356, %min3A_359 : vector<32x128xf32>
    %max3A_363 = arith.maximumf %max3A_357, %min3A_361 : vector<32x128xf32>
    %slice3A_364 = vector.extract_strided_slice %get3A_3 {offsets = [0, 7552], sizes = [32, 128], strides = [1, 1]} : vector<32x8192xf32> to vector<32x128xf32>
    %min3A_365 = arith.minimumf %max3A_360, %slice3A_364 : vector<32x128xf32>
    %max3A_366 = arith.maximumf %max3A_360, %slice3A_364 : vector<32x128xf32>
    %min3A_367 = arith.minimumf %max3A_362, %min3A_365 : vector<32x128xf32>
    %max3A_368 = arith.maximumf %max3A_362, %min3A_365 : vector<32x128xf32>
    %max3A_369 = arith.maximumf %max3A_363, %min3A_367 : vector<32x128xf32>
    %slice3A_370 = vector.extract_strided_slice %get3A_3 {offsets = [0, 7680], sizes = [32, 128], strides = [1, 1]} : vector<32x8192xf32> to vector<32x128xf32>
    %min3A_371 = arith.minimumf %max3A_366, %slice3A_370 : vector<32x128xf32>
    %max3A_372 = arith.maximumf %max3A_366, %slice3A_370 : vector<32x128xf32>
    %min3A_373 = arith.minimumf %max3A_368, %min3A_371 : vector<32x128xf32>
    %max3A_374 = arith.maximumf %max3A_368, %min3A_371 : vector<32x128xf32>
    %max3A_375 = arith.maximumf %max3A_369, %min3A_373 : vector<32x128xf32>
    %slice3A_376 = vector.extract_strided_slice %get3A_3 {offsets = [0, 7808], sizes = [32, 128], strides = [1, 1]} : vector<32x8192xf32> to vector<32x128xf32>
    %min3A_377 = arith.minimumf %max3A_372, %slice3A_376 : vector<32x128xf32>
    %max3A_378 = arith.maximumf %max3A_372, %slice3A_376 : vector<32x128xf32>
    %min3A_379 = arith.minimumf %max3A_374, %min3A_377 : vector<32x128xf32>
    %max3A_380 = arith.maximumf %max3A_374, %min3A_377 : vector<32x128xf32>
    %max3A_381 = arith.maximumf %max3A_375, %min3A_379 : vector<32x128xf32>
    %slice3A_382 = vector.extract_strided_slice %get3A_3 {offsets = [0, 7936], sizes = [32, 128], strides = [1, 1]} : vector<32x8192xf32> to vector<32x128xf32>
    %min3A_383 = arith.minimumf %max3A_378, %slice3A_382 : vector<32x128xf32>
    %max3A_384 = arith.maximumf %max3A_378, %slice3A_382 : vector<32x128xf32>
    %min3A_385 = arith.minimumf %max3A_380, %min3A_383 : vector<32x128xf32>
    %max3A_386 = arith.maximumf %max3A_380, %min3A_383 : vector<32x128xf32>
    %max3A_387 = arith.maximumf %max3A_381, %min3A_385 : vector<32x128xf32>
    %slice3A_388 = vector.extract_strided_slice %get3A_3 {offsets = [0, 8064], sizes = [32, 128], strides = [1, 1]} : vector<32x8192xf32> to vector<32x128xf32>
    %min3A_389 = arith.minimumf %max3A_384, %slice3A_388 : vector<32x128xf32>
    %max3A_390 = arith.maximumf %max3A_384, %slice3A_388 : vector<32x128xf32>
    %min3A_391 = arith.minimumf %max3A_386, %min3A_389 : vector<32x128xf32>
    %max3A_392 = arith.maximumf %max3A_386, %min3A_389 : vector<32x128xf32>
    %max3A_393 = arith.maximumf %max3A_387, %min3A_391 : vector<32x128xf32>
    %swap3A = arith.constant 0 : index
    %swap3A_394 = arith.constant 0 : index
    %swap3A_395 = vector.load %arg3[%swap3A, %swap3A_394] : memref<32x128xf32, #tpu.memory_space<vmem>>, vector<32x128xf32>
    tpu.vector_store %arg3[%swap3A, %swap3A_394], %max3A_390 {strides = array<i32>} : memref<32x128xf32, #tpu.memory_space<vmem>>, vector<32x128xf32>,
    %swap3A_396 = arith.constant 0 : index
    %swap3A_397 = arith.constant 0 : index
    %swap3A_398 = vector.load %arg4[%swap3A_396, %swap3A_397] : memref<32x128xf32, #tpu.memory_space<vmem>>, vector<32x128xf32>
    tpu.vector_store %arg4[%swap3A_396, %swap3A_397], %max3A_392 {strides = array<i32>} : memref<32x128xf32, #tpu.memory_space<vmem>>, vector<32x128xf32>,
    %swap3A_399 = arith.constant 0 : index
    %swap3A_400 = arith.constant 0 : index
    %swap3A_401 = vector.load %arg5[%swap3A_399, %swap3A_400] : memref<32x128xf32, #tpu.memory_space<vmem>>, vector<32x128xf32>
    tpu.vector_store %arg5[%swap3A_399, %swap3A_400], %max3A_393 {strides = array<i32>} : memref<32x128xf32, #tpu.memory_space<vmem>>, vector<32x128xf32>,
    %eq3A_402 = arith.constant 3 : i32
    %eq3A_403 = arith.cmpi eq, %arg0, %eq3A_402 : i32
    %convert_element_type3A_404 = arith.extui %eq3A_403 : i1 to i32
    %cond3A_405 = arith.constant 0 : i32
    %cond3A_406 = arith.cmpi ne, %convert_element_type3A_404, %cond3A_405 : i32
    scf.if %cond3A_406 {
      %get3A_407 = arith.constant 0 : index
      %get3A_408 = arith.constant 0 : index
      %get3A_409 = vector.load %arg3[%get3A_407, %get3A_408] : memref<32x128xf32, #tpu.memory_space<vmem>>, vector<32x128xf32>
      %get3A_410 = arith.constant 0 : index
      %get3A_411 = arith.constant 0 : index
      %get3A_412 = vector.load %arg4[%get3A_410, %get3A_411] : memref<32x128xf32, #tpu.memory_space<vmem>>, vector<32x128xf32>
      %get3A_413 = arith.constant 0 : index
      %get3A_414 = arith.constant 0 : index
      %get3A_415 = vector.load %arg5[%get3A_413, %get3A_414] : memref<32x128xf32, #tpu.memory_space<vmem>>, vector<32x128xf32>
      %iota3A = tpu.iota {dimensions = array<i32: 1>} : vector<32x128xi32>
      %reduce_max3A = arith.constant dense<0xFF800000> : vector<32xf32>
      %reduce_max3A_416 = vector.multi_reduction <maximumf>, %get3A_409, %reduce_max3A [1] : vector<32x128xf32> to vector<32xf32>
      %broadcast_in_dim3A = vector.shape_cast %reduce_max3A_416 : vector<32xf32> to vector<32x1xf32>
      %eq3A_417 = vector.broadcast %broadcast_in_dim3A : vector<32x1xf32> to vector<32x128xf32>
      %eq3A_418 = arith.cmpf oeq, %get3A_409, %eq3A_417 : vector<32x128xf32>
      %jit3A = arith.constant 128 : i32
      %broadcast_in_dim3A_419 = vector.broadcast %jit3A : i32 to vector<32x128xi32>
      %select_n3A = arith.select %eq3A_418, %iota3A, %broadcast_in_dim3A_419 : vector<32x128xi1>, vector<32x128xi32>
      %reduce_min3A = arith.constant dense<2147483647> : vector<32xi32>
      %reduce_min3A_420 = vector.multi_reduction <minsi>, %select_n3A, %reduce_min3A [1] : vector<32x128xi32> to vector<32xi32>
      %broadcast_in_dim3A_421 = vector.shape_cast %reduce_min3A_420 : vector<32xi32> to vector<32x1xi32>
      %eq3A_422 = vector.broadcast %broadcast_in_dim3A_421 : vector<32x1xi32> to vector<32x128xi32>
      %eq3A_423 = arith.cmpi eq, %iota3A, %eq3A_422 : vector<32x128xi32>
      %select_n3A_424 = arith.select %eq3A_423, %get3A_412, %get3A_409 : vector<32x128xi1>, vector<32x128xf32>
      %select_n3A_425 = arith.select %eq3A_423, %get3A_415, %get3A_412 : vector<32x128xi1>, vector<32x128xf32>
      %reduce_max3A_426 = arith.constant dense<0xFF800000> : vector<32xf32>
      %reduce_max3A_427 = vector.multi_reduction <maximumf>, %select_n3A_424, %reduce_max3A_426 [1] : vector<32x128xf32> to vector<32xf32>
      %broadcast_in_dim3A_428 = vector.shape_cast %reduce_max3A_427 : vector<32xf32> to vector<32x1xf32>
      %eq3A_429 = vector.broadcast %broadcast_in_dim3A_428 : vector<32x1xf32> to vector<32x128xf32>
      %eq3A_430 = arith.cmpf oeq, %select_n3A_424, %eq3A_429 : vector<32x128xf32>
      %jit3A_431 = arith.constant 128 : i32
      %broadcast_in_dim3A_432 = vector.broadcast %jit3A_431 : i32 to vector<32x128xi32>
      %select_n3A_433 = arith.select %eq3A_430, %iota3A, %broadcast_in_dim3A_432 : vector<32x128xi1>, vector<32x128xi32>
      %reduce_min3A_434 = arith.constant dense<2147483647> : vector<32xi32>
      %reduce_min3A_435 = vector.multi_reduction <minsi>, %select_n3A_433, %reduce_min3A_434 [1] : vector<32x128xi32> to vector<32xi32>
      %broadcast_in_dim3A_436 = vector.shape_cast %reduce_min3A_435 : vector<32xi32> to vector<32x1xi32>
      %eq3A_437 = vector.broadcast %broadcast_in_dim3A_436 : vector<32x1xi32> to vector<32x128xi32>
      %eq3A_438 = arith.cmpi eq, %iota3A, %eq3A_437 : vector<32x128xi32>
      %select_n3A_439 = arith.select %eq3A_438, %select_n3A_425, %select_n3A_424 : vector<32x128xi1>, vector<32x128xf32>
      %reduce_max3A_440 = arith.constant dense<0xFF800000> : vector<32xf32>
      %reduce_max3A_441 = vector.multi_reduction <maximumf>, %select_n3A_439, %reduce_max3A_440 [1] : vector<32x128xf32> to vector<32xf32>
      %broadcast_in_dim3A_442 = vector.shape_cast %reduce_max3A_441 : vector<32xf32> to vector<32x1xf32>
      %eq3A_443 = arith.constant 0 : i32
      %eq3A_444 = vector.broadcast %eq3A_443 : i32 to vector<32x128xi32>
      %eq3A_445 = arith.cmpi eq, %iota3A, %eq3A_444 : vector<32x128xi32>
      %eq3A_446 = arith.constant 1 : i32
      %eq3A_447 = vector.broadcast %eq3A_446 : i32 to vector<32x128xi32>
      %eq3A_448 = arith.cmpi eq, %iota3A, %eq3A_447 : vector<32x128xi32>
      %eq3A_449 = arith.constant 2 : i32
      %eq3A_450 = vector.broadcast %eq3A_449 : i32 to vector<32x128xi32>
      %eq3A_451 = arith.cmpi eq, %iota3A, %eq3A_450 : vector<32x128xi32>
      %jit3A_452 = arith.constant 0.000000e+00 : f32
      %broadcast_in_dim3A_453 = vector.shape_cast %broadcast_in_dim3A_442 : vector<32x1xf32> to vector<32x1xf32>
      %broadcast_in_dim3A_454 = vector.broadcast %broadcast_in_dim3A_453 : vector<32x1xf32> to vector<32x128xf32>
      %broadcast_in_dim3A_455 = vector.broadcast %jit3A_452 : f32 to vector<32x128xf32>
      %select_n3A_456 = arith.select %eq3A_451, %broadcast_in_dim3A_454, %broadcast_in_dim3A_455 : vector<32x128xi1>, vector<32x128xf32>
      %broadcast_in_dim3A_457 = vector.shape_cast %broadcast_in_dim3A_428 : vector<32x1xf32> to vector<32x1xf32>
      %broadcast_in_dim3A_458 = vector.broadcast %broadcast_in_dim3A_457 : vector<32x1xf32> to vector<32x128xf32>
      %select_n3A_459 = arith.select %eq3A_448, %broadcast_in_dim3A_458, %select_n3A_456 : vector<32x128xi1>, vector<32x128xf32>
      %broadcast_in_dim3A_460 = vector.shape_cast %broadcast_in_dim3A : vector<32x1xf32> to vector<32x1xf32>
      %broadcast_in_dim3A_461 = vector.broadcast %broadcast_in_dim3A_460 : vector<32x1xf32> to vector<32x128xf32>
      %select_n3A_462 = arith.select %eq3A_445, %broadcast_in_dim3A_461, %select_n3A_459 : vector<32x128xi1>, vector<32x128xf32>
      %slice3A_463 = vector.extract_strided_slice %select_n3A_462 {offsets = [0, 0], sizes = [32, 8], strides = [1, 1]} : vector<32x128xf32> to vector<32x8xf32>
      %swap3A_464 = arith.constant 0 : index
      %swap3A_465 = arith.constant 0 : index
      %swap3A_466 = vector.load %arg2[%swap3A_464, %swap3A_465] : memref<32x8xf32, #tpu.memory_space<vmem>>, vector<32x8xf32>
      tpu.vector_store %arg2[%swap3A_464, %swap3A_465], %slice3A_463 {strides = array<i32>} : memref<32x8xf32, #tpu.memory_space<vmem>>, vector<32x8xf32>,
    } else {
    }
    return
  }
  func.func @transform_0(%arg0: i32) -> (i32, i32) {
    %c1_i32 = arith.constant 1 : i32
    %c0_i32 = arith.constant 0 : i32
    return %c1_i32, %arg0 : i32, i32
  }
  func.func @transform_1(%arg0: i32) -> (i32, i32) {
    %c0_i32 = arith.constant 0 : i32
    %c0_i32_0 = arith.constant 0 : i32
    %c0_i32_1 = arith.constant 0 : i32
    return %c0_i32, %c0_i32_0 : i32, i32
  }
}

</mosaic_0001>

<sc_bundles>
// kernel: kernel.4.cloned.1.call-start
scs
__scs_entry_jumppad:
0x0: {  	(pc) =	sbr.rel $0x88, $3  }
0x1: {  	(tag) =	ssettag $0x0;
	lr =	simm.s32 $0x1  }
0x2: {  	[smem:$0x3FA0] =	sst lr;
	_ =	strace $0xD0000000  }
0x3: {  	_ = 	snop  }
0x4: {  	_ = 	snop  }
0x5: {  	_ = 	snop  }
0x6: {  	_ = 	snop  }
0x7: {  	_ = 	snop  }
__scs_overlays_trampoline_lowered:
0x8: {  	[smem:$0x3FAF] =	sst s0  }
0x9: {  	[smem:$0x3FB0] =	sst s1  }
0xa: {  	[smem:$0x3FB1] =	sst s2  }
0xb: {  	[smem:$0x3FB2] =	sst s3  }
0xc: {  	[smem:$0x3FB3] =	sst s4  }
0xd: {  	[smem:$0x3FB4] =	sst s5  }
0xe: {  	[smem:$0x3FB5] =	sst s6  }
0xf: {  	[smem:$0x3FB6] =	sst s7  }
0x10: {  	[smem:$0x3FB7] =	sst s8  }
0x11: {  	[smem:$0x3FB8] =	sst s9;
	s0 =	simm.s32 @!p0 $0x0  }
0x12: {  	s1 =	sld [smem:$0x3F9E];
	s0 =	simm.s32 @p0 $0x1  }
0x13: {  	[smem:$0x3FB9] =	sst s0;
	s0 =	simm.s32 @!p1 $0x0  }
0x14: {  	s2 =	sld [smem:$0x3F9D];
	s0 =	simm.s32 @p1 $0x1  }
0x15: {  	[smem:$0x3FBA] =	sst s0;
	s0 =	simm.s32 @!p2 $0x0  }
0x16: {  	s3 =	sld [smem:$0x3FDB];
	s0 =	simm.s32 @p2 $0x1  }
0x17: {  	s4 =	simm.s32 $0x1BF5;
	[smem:$0x3FBC] =	sst s0  }
0x18: {  	s0 =	sld [smem:$0x3F9F];
	_ =	swait.ge [sflag:s4], $0x0  }
0x19: {  	s7 =	sld [smem:$0x3FA0]  }
0x1a: {  	s8 =	sadd.s32 $0xFFFFE003, lr  }
0x1b: {  	s9 =	sadd.s32 $0xFFFFFEF7, lr;
	s5 =	simm.s32 $0xFFFFFFFF;
	p2 =	slt.u32 s8, $0xFFFFF086  }
0x1c: {  	p1 =	slt.u32 s9, $0xF7A;
	s5 =	simm.s32 @!p2 $0x0  }
0x1d: {  	s5 =	simm.s32 @p1 $0x1;
	p0 =	seq.s32 s7, s2  }
0x1e: {  	s7 =	smul.u32 @!p0 $0xF7A, s2;
	p2 =	seq.s32 @!p0 s5, $0x0  }
0x1f: {  	s9 =	smul.u32 $0xF7A, s1;
	s8 =	simm.s32 @!p0 $0x1BF5;
	p2 =	por !p2, p0  }
0x20: {  	[sflag:s8] =	ssyncset.s32 @!p0 $0xFFFFF086;
	s6 =	sadd.s32 @!p0 s3, s7;
	s7 =	simm.s32 @!p0 $0x108  }
0x21: {  	s3 =	sadd.s32 s3, s9;
	s6 =	sadd.s32 @!p0 $0x88, s6;
	s7 =	simm.s32 @p2 $0x1082  }
0x22: {  	[simem:s7], [sflag:s8] =	dma.local @!p0 [hbm:s6], $0xF7A  }
0x23: {  	s9 =	sor.u32 $0xD0000000, s2;
	s6 =	simm.s32 $0x108;
	_ =	swait.ge @!p0 [sflag:s8], $0x0  }
0x24: {  	s3 =	sadd.s32 $0x88, s3;
	s6 =	simm.s32 @!p1 $0x1082;
	[sflag:s4] =	ssyncset.s32 $0xFFFFF086  }
0x25: {  	[simem:s6], [sflag:s4] =	dma.local [hbm:s3], $0xF7A  }
0x26: {  	[smem:$0x3FA0] =	sst s1;
	(tag) =	ssettag s2;
	_ =	strace s9  }
0x27: {  	s1 =	sld [smem:$0x3FB0]  }
0x28: {  	s2 =	sld [smem:$0x3FB1]  }
0x29: {  	s4 =	sld [smem:$0x3FB3]  }
0x2a: {  	p0 =	seq.s32 s5, $0x0;
	s5 =	sld [smem:$0x3FB4]  }
0x2b: {  	s6 =	sld [smem:$0x3FB5]  }
0x2c: {  	s7 =	sld [smem:$0x3FB6]  }
0x2d: {  	s3 =	simm.s32 $0x108;
	s8 =	sld [smem:$0x3FB7]  }
0x2e: {  	s3 =	simm.s32 @!p0 $0x1082;
	s9 =	sld [smem:$0x3FB8]  }
0x2f: {  	lr =	sadd.s32 s0, s3;
	s0 =	sld [smem:$0x3FAF]  }
0x30: {  	s3 =	sld [smem:$0x3FB2]  }
0x31: {  	[smem:$0x3FBB] =	sst s10  }
0x32: {  	s10 =	sld [smem:$0x3FB9];
	_ =	sdelay $0x3  }
0x33: {  	p0 =	seq.s32 s10, $0x1;
	s10 =	sld [smem:$0x3FBB];
	_ =	sdelay $0x3  }
0x34: {  	[smem:$0x3FBB] =	sst s10  }
0x35: {  	s10 =	sld [smem:$0x3FBA];
	_ =	sdelay $0x3  }
0x36: {  	p1 =	seq.s32 s10, $0x1;
	s10 =	sld [smem:$0x3FBB];
	_ =	sdelay $0x3  }
0x37: {  	[smem:$0x3FBB] =	sst s10  }
0x38: {  	s10 =	sld [smem:$0x3FBC]  }
0x39: {  	_ = 	snop;
	(pc) =	sbr.ind lr, $3  }
0x3a: {  	_ = 	snop  }
0x3b: {  	_ = 	snop  }
0x3c: {  	p2 =	seq.s32 s10, $0x1;
	s10 =	sld [smem:$0x3FBB]  }
0x3d: {  	_ =	shalt  }
0x3e: {  	_ =	shalt  }
0x3f: {  	_ =	shalt  }
0x40: {  	_ =	shalt  }
0x41: {  	_ =	shalt  }
0x42: {  	_ =	shalt  }
0x43: {  	_ =	shalt  }
0x44: {  	_ =	shalt  }
0x45: {  	_ =	shalt  }
0x46: {  	_ =	shalt  }
0x47: {  	_ =	shalt  }
0x48: {  	_ =	shalt  }
0x49: {  	_ =	shalt  }
0x4a: {  	_ =	shalt  }
0x4b: {  	_ =	shalt  }
0x4c: {  	_ =	shalt  }
0x4d: {  	_ =	shalt  }
0x4e: {  	_ =	shalt  }
0x4f: {  	_ =	shalt  }
0x50: {  	_ =	shalt  }
0x51: {  	_ =	shalt  }
0x52: {  	_ =	shalt  }
0x53: {  	_ =	shalt  }
0x54: {  	_ =	shalt  }
0x55: {  	_ =	shalt  }
0x56: {  	_ =	shalt  }
0x57: {  	_ =	shalt  }
0x58: {  	_ =	shalt  }
0x59: {  	_ =	shalt  }
0x5a: {  	_ =	shalt  }
0x5b: {  	_ =	shalt  }
0x5c: {  	_ =	shalt  }
0x5d: {  	_ =	shalt  }
0x5e: {  	_ =	shalt  }
0x5f: {  	_ =	shalt  }
0x60: {  	_ =	shalt  }
0x61: {  	_ =	shalt  }
0x62: {  	_ =	shalt  }
0x63: {  	_ =	shalt  }
0x64: {  	_ =	shalt  }
0x65: {  	_ =	shalt  }
0x66: {  	_ =	shalt  }
0x67: {  	_ =	shalt  }
0x68: {  	_ =	shalt  }
0x69: {  	_ =	shalt  }
0x6a: {  	_ =	shalt  }
0x6b: {  	_ =	shalt  }
0x6c: {  	_ =	shalt  }
0x6d: {  	_ =	shalt  }
0x6e: {  	_ =	shalt  }
0x6f: {  	_ =	shalt  }
0x70: {  	_ =	shalt  }
0x71: {  	_ =	shalt  }
0x72: {  	_ =	shalt  }
0x73: {  	_ =	shalt  }
0x74: {  	_ =	shalt  }
0x75: {  	_ =	shalt  }
0x76: {  	_ =	shalt  }
0x77: {  	_ =	shalt  }
0x78: {  	_ =	shalt  }
0x79: {  	_ =	shalt  }
0x7a: {  	_ =	shalt  }
0x7b: {  	_ =	shalt  }
0x7c: {  	_ =	shalt  }
0x7d: {  	_ =	shalt  }
0x7e: {  	_ =	shalt  }
0x7f: {  	_ =	shalt  }
0x80: {  	_ =	shalt  }
0x81: {  	_ =	shalt  }
0x82: {  	_ =	shalt  }
0x83: {  	_ =	shalt  }
0x84: {  	_ =	shalt  }
0x85: {  	_ =	shalt  }
0x86: {  	_ =	shalt  }
0x87: {  	_ =	shalt  }
.Lfunc_end0:
.L_simem_size_0:
called_computation_lowered:
.L_overlay_start_0:
0x88: {  	s2 =	sld [smem:$0x3FD9]  }
0x89: {  	s3 =	sld [smem:$0x3FFE];
	_ =	sdelay $0x1  }
0x8a: {  	s1 =	srdreg.scid  }
0x8b: {  	s0 =	sand.u32 $0x1, s1  }
0x8c: {  	s18 =	sshll.u32 s0, $0xA;
	s2 =	sadd.s32 s3, s2  }
0x8d: {  	s2 =	sadd.s32 s2, s18  }
0x8e: {  	[smem:$0x3FC7] =	sst s2  }
0x8f: {  	_ = 	snop  }
0x90: {  	s2 =	sld [smem:$0x3FC9]  }
0x91: {  	s19 =	sld [smem:$0x3FD0];
	(tm) =	ssettm $0x1  }
0x92: {  	s4 =	sld [smem:$0x3FFB];
	_ =	sdelay $0x3  }
0x93: {  	_ =	strace s4  }
0x94: {  	s4 =	sld [smem:$0x3FFC];
	_ =	sdelay $0x3  }
0x95: {  	_ =	strace s4  }
0x96: {  	s4 =	sld [smem:$0x3FFD];
	_ =	sdelay $0x3  }
0x97: {  	_ =	strace s4  }
0x98: {  	_ =	strace $0x8FFFFFFF  }
0x99: {  	s20 =	sld [smem:$0x3FDB];
	_ =	sdelay $0x1  }
0x9a: {  	s5 =	simm.s32 $_scs_section_size  }
0x9b: {  	s6 =	simm.s32 $_size__tile_overlayer_lowered;
	s7 =	simm.s32 $_tile_overlayer_lowered  }
0x9c: {  	s23 =	simm.s32 $0x1BFF;
	s22 =	sshll.u32 s7, $0x1;
	s4 =	sadd.s32 s5, s20  }
0x9d: {  	s8 =	simm.s32 $0x0;
	s21 =	sshll.u32 s6, $0x1;
	s6 =	sadd.s32 s22, s4  }
0x9e: {  	[timem:s8], [sflag:s23] =	dma.local [hbm:s6], s21  }
0x9f: {  	_ =	swait.ge [sflag:s23], s21  }
0xa0: {  	s5 =	ssub.s32 $0x0, s21;
	[sflag:s23] =	ssyncset.done $0x0  }
0xa1: {  	[sflag:s23] =	ssyncadd.s32 s5;
	_ =	sdelay $0x1  }
0xa2: {  	s24 =	simm.s32 $0x1B8B  }
0xa3: {  	_ =	swait.ge [sflag:s24], $0x1  }
0xa4: {  	[sflag:s24] =	ssyncset.done $0x0  }
0xa5: {  	s25 =	simm.s32 $0x1B8E;
	[sflag:s24] =	ssyncadd.s32 $0xFFFFFFFF  }
0xa6: {  	s26 =	simm.s32 $execute0_lowered;
	[smem:$0x3FD2] =	sst s25  }
0xa7: {  	s5 =	sshll.u32 s26, $0x1;
	_ =	strace $0x80000046;
	[dreg:$0x1] =	wrdreg $0xFFFFFFFF  }
0xa8: {  	s28 =	simm.s32 $_size_execute0_lowered;
	s4 =	sadd.s32 s4, s5;
	[dreg:$0x0] =	wrdreg $0x0  }
0xa9: {  	s5 =	sshll.u32 s28, $0x1;
	[dreg:$0x2] =	wrdreg s4  }
0xaa: {  	[dreg:$0x3] =	wrdreg s5  }
0xab: {  	[dreg:$0x4] =	wrdreg $0xC0  }
0xac: {  	_ =	task [dreg:s8], $0x5FFFF  }
0xad: {  	[dreg:$0x1] =	wrdreg $0xFFFFFFFF  }
0xae: {  	[dreg:$0x0] =	wrdreg $0x60  }
0xaf: {  	[dreg:$0x2] =	wrdreg s2  }
0xb0: {  	[dreg:$0x3] =	wrdreg s19  }
0xb1: {  	[dreg:$0x4] =	wrdreg $0x9  }
0xb2: {  	_ =	task.clear_ibuf [dreg:s8], $0x5FFFF;
	_ =	strace $0x90000046  }
0xb3: {  	s29 =	simm.s32 $0x9;
	_ =	strace $0x80000048  }
0xb4: {  	_ =	swait.ge [sflag:s29], $0x1  }
0xb5: {  	[sflag:s29] =	ssyncadd.s32 $0xFFFFFFFF  }
0xb6: {  	_ =	strace $0x90000048  }
0xb7: {  	_ =	sfence  }
0xb8: {  	s30 =	sld [smem:$0x0];
	_ =	sdelay $0x2  }
0xb9: {  	s31 =	sshll.u32 s1, $0xD;
	s1 =	sshrl.u32 s1, $0x2  }
0xba: {  	s3 =	sand.u32 $0x4000, s31;
	s1 =	sadd.s32 s1, s30  }
0xbb: {  	s0 =	sor.u32 s3, s0;
	s1 =	sshll.u32 s1, $0x11  }
0xbc: {  	s0 =	sor.u32 s1, s0  }
0xbd: {  	s0 =	sadd.s32 $0x8F2B, s0  }
0xbe: {  	[sflag:s0] =	ssyncadd.remote.s32 $0x1  }
0xbf: {  	_ =	sfence.sel $0xFFFF  }
0xc0: {  	[dreg:$0x0] =	wrdreg $0xFFFFFFFF;
	(pc) =	sbr.abs _section_cstart, $3  }
0xc1: {  	[dreg:$0x1] =	wrdreg $0xFFFFFFFF  }
0xc2: {  	_ =	task.clear_ibuf [dreg:s8], $0x2FFFF;
	_ =	strace $0x9FFFFFFF  }
0xc3: {  	(tm) =	ssettm $0x7FFFFFFF  }
tec
execute0_lowered:
.L_overlay_start_1:
0x0: {  	(tag) =	ssettag $0x1  }
0x1: {  	s1 =	srdreg.scid  }
0x2: {  	s0 =	stileid.u32;
	s4 =	rddreg [dreg:$0x0]  }
0x3: {  	s8 =	rddreg [dreg:$0x1];
	s2 =	simm.s32 $0x0;
	s10 =	simm.s32 $0x400  }
0x4: {  	s11 =	simm.s32 $0x2000;
	s12 =	simm.s32 $0x4000;
	s13 =	simm.s32 $0x6000  }
0x5: {  	s14 =	simm.s32 $0x1;
	s15 =	simm.s32 $0x2;
	s16 =	simm.s32 $0x3  }
0x6: {  	s17 =	simm.s32 $0x4;
	s18 =	simm.s32 $0x8000;
	s19 =	simm.s32 $0x5  }
0x7: {  	s20 =	simm.s32 $0x0;
	s3 =	sand.u32 $0x1, s1;
	s28 =	sshll.u32 s0, $0x1  }
0x8: {  	s5 =	sshll.u32 s0, $0xD;
	s1 =	rddreg [dreg:$0x2];
	s7 =	sor.u32 s3, s28  }
0x9: {  	[smem:$0x7FF] =	sst s2;
	s29 =	ssub.s32 $0x2, s3;
	s6 =	sshll.u32 s7, $0x4  }
0xa: {  	_ =	strace $0x80000047;
	s31 =	sshrl.u32 s29, $0x1;
	s5 =	sor.u32 s5, s6  }
0xb: {  	s7 =	sadd.s32 s8, s7;
	s9 =	ssub.s32 s29, s31;
	s30 =	sand.u32 $0x18070, s5  }
0xc: {  	v0 =	vlaneseq.u32;
	s8 =	smax.u32 s9, $0x1;
	s9 =	simm.s32 $0x80;
	s3 =	sadd.s32 s4, s30  }
0xd: {  	vm0 =	vcmask $0xB08;
	vm1 =	vcmask $0x3F08;
	vm2 =	vcmask $0x3F04;
	s4 =	sadd.s32 $0x2000, s3;
	s5 =	sadd.s32 $0x4000, s3;
	s6 =	sadd.s32 $0x6000, s3  }
.LBB2_1:
0xe: {  	[tilespmem:s2], [sflag:$0x1] =	stream.strided.gather [hbm4b:s3+s9], $0x2000, s10, s9, $0x38;
	[tilespmem:$0x8080] =	vst v63  }
0xf: {  	_ = 	snop  }
0x10: {  	[tilespmem:s11], [sflag:$0x2] =	stream.strided.gather [hbm4b:s4+s9], $0x2000, s10, s9, $0x38;
	[tilespmem:$0x8080] =	vst v63  }
0x11: {  	_ = 	snop  }
0x12: {  	[tilespmem:s12], [sflag:$0x3] =	stream.strided.gather [hbm4b:s5+s9], $0x2000, s10, s9, $0x38;
	[tilespmem:$0x8080] =	vst v63  }
0x13: {  	_ = 	snop  }
0x14: {  	[tilespmem:s13], [sflag:$0x4] =	stream.strided.gather [hbm4b:s6+s9], $0x2000, s10, s9, $0x38;
	[tilespmem:$0x8080] =	vst v63  }
0x15: {  	_ =	swait.ge [sflag:s14], $0x2000  }
0x16: {  	[sflag:s14] =	ssyncset.done $0x0  }
0x17: {  	s21 =	simm.s32 $0x0;
	[sflag:s14] =	ssyncadd.s32 $0xFFFFE000  }
0x18: {  	v3 =	vld [tilespmem:s21+$0x30]  }
0x19: {  	v6 =	vimm.f32 $-Inf;
	v14 =	vimm.f32 $-Inf;
	v7 =	vimm.f32 $-Inf;
	v1 =	vld [tilespmem:s21+$0x0]  }
0x1a: {  	v13 =	vimm.f32 $-Inf;
	v15 =	vimm.f32 $-Inf;
	v8 =	vimm.f32 $-Inf;
	v19 =	vld [tilespmem:s21+$0x10]  }
0x1b: {  	v9 =	vimm.f32 $-Inf;
	v10 =	vimm.f32 $-Inf;
	v12 =	vimm.f32 $-Inf;
	v20 =	vld [tilespmem:s21+$0x20]  }
0x1c: {  	v17 =	vimm.f32 $-Inf;
	v4 =	vimm.f32 $-Inf;
	v11 =	vimm.f32 $-Inf  }
0x1d: {  	v16 =	vimm.f32 $-Inf;
	v5 =	vimm.f32 $-Inf;
	v2 =	vmin.f32 v6, v3  }
0x1e: {  	s22 =	simm.s32 $0x40;
	s21 =	simm.s32 $0x200;
	v18 =	vmin.f32 v6, v1;
	v1 =	vmax.f32 v6, v1;
	v21 =	vmin.f32 v6, v2  }
.LBB2_2:
0x1f: {  	p0 =	sne.s32 s21, $0x7F00;
	v22 =	vld [tilespmem:s22+$0x30];
	v23 =	vmin.f32 v6, v19;
	v6 =	vmax.f32 v6, v19;
	v14 =	vmax.f32 v14, v21  }
0x20: {  	v7 =	vmax.f32 v7, v18;
	v21 =	vld [tilespmem:s22+$0x0];
	v24 =	vmin.f32 v13, v20;
	v13 =	vmax.f32 v13, v20  }
.Ltmp0:
0x21: {  	v18 =	vmin.f32 v15, v18;
	v8 =	vmax.f32 v8, v23;
	v15 =	vmovc v7;
	v19 =	vld [tilespmem:s22+$0x10];
	v9 =	vmax.f32 v9, v24;
	(pc) =	sbr.rel @p0 .LBB2_2-.Ltmp0, $4  }
0x22: {  	v10 =	vmax.f32 v10, v18;
	v18 =	vmin.f32 v12, v23;
	v23 =	vmin.f32 v17, v24;
	v12 =	vmovc v8;
	v20 =	vld [tilespmem:s22+$0x20]  }
0x23: {  	v16 =	vmax.f32 v16, v3;
	v4 =	vmax.f32 v4, v18;
	v11 =	vmax.f32 v11, v23;
	v17 =	vmovc v9  }
0x24: {  	v5 =	vmax.f32 v5, v2;
	v2 =	vmin.f32 v16, v22;
	v3 =	vmov v22  }
0x25: {  	s22 =	sshra.s32 s21, $0x2;
	s21 =	sadd.s32 $0x100, s21;
	v18 =	vmin.f32 v1, v21;
	v1 =	vmax.f32 v1, v21;
	v21 =	vmin.f32 v5, v2  }
0x26: {  	v22 =	vld [tilespmem:s22+$0x30];
	v23 =	vmin.f32 v6, v19  }
0x27: {  	v24 =	vld [tilespmem:s22+$0x0];
	v6 =	vmax.f32 v6, v19;
	v14 =	vmax.f32 v14, v21;
	v25 =	vmax.f32 v5, v2  }
0x28: {  	v21 =	vld [tilespmem:s22+$0x10];
	v19 =	vmin.f32 v13, v20;
	v13 =	vmax.f32 v13, v20;
	v20 =	vmax.f32 v7, v18  }
0x29: {  	v7 =	vmin.f32 v15, v18;
	v15 =	vld [tilespmem:s22+$0x20];
	v18 =	vmax.f32 v8, v23;
	v9 =	vmax.f32 v9, v19  }
0x2a: {  	_ =	swait.ge [sflag:s15], $0x2000;
	v10 =	vmax.f32 v10, v7;
	v7 =	vmin.f32 v12, v23;
	v8 =	vmin.f32 v17, v19  }
0x2b: {  	s21 =	simm.s32 $0x0;
	v12 =	vmax.f32 v16, v3;
	[sflag:s15] =	ssyncset.done $0x0;
	v4 =	vmax.f32 v4, v7;
	v19 =	vmax.f32 v11, v8  }
0x2c: {  	s21 =	sand.u32 $0x1FC0, s21;
	[sflag:s15] =	ssyncadd.s32 $0xFFFFE000;
	v23 =	vmin.f32 v12, v22;
	v5 =	vmin.f32 v1, v24;
	v1 =	vmax.f32 v1, v24  }
0x2d: {  	v7 =	vld [tilespmem:s21+$0x2000];
	v16 =	vmin.f32 v6, v21;
	v21 =	vmax.f32 v6, v21;
	v2 =	vmin.f32 v25, v23  }
0x2e: {  	s29 =	simm.s32 $0x2030;
	v6 =	vmin.f32 v13, v15;
	v15 =	vmax.f32 v13, v15;
	v8 =	vmax.f32 v14, v2  }
0x2f: {  	v3 =	vld [tilespmem:s29+$0x0];
	v2 =	vmax.f32 v20, v5;
	v5 =	vmin.f32 v20, v5;
	v14 =	vmax.f32 v9, v6  }
0x30: {  	v13 =	vld [tilespmem:s29+$0xFFFFFFE0];
	v6 =	vmin.f32 v9, v6;
	v10 =	vmax.f32 v10, v5;
	v5 =	vmin.f32 v18, v16  }
0x31: {  	v11 =	vmax.f32 v18, v16;
	v16 =	vmax.f32 v4, v5;
	v5 =	vmax.f32 v19, v6;
	v19 =	vld [tilespmem:s29+$0xFFFFFFF0]  }
0x32: {  	s30 =	simm.s32 $0x40;
	v17 =	vmin.f32 v1, v7  }
0x33: {  	s31 =	sand.u32 $0x1FC0, s30;
	v9 =	vmax.f32 v12, v22;
	v4 =	vmin.f32 v2, v17  }
0x34: {  	v6 =	vmax.f32 v25, v23;
	v12 =	vmax.f32 v10, v4;
	v10 =	vmin.f32 v9, v3;
	v4 =	vld [tilespmem:s31+$0x2000]  }
0x35: {  	s22 =	simm.s32 $0x80;
	s21 =	simm.s32 $0x2070;
	v18 =	vmovc v14;
	v20 =	vmin.f32 v21, v13;
	v13 =	vmax.f32 v21, v13;
	v21 =	vmin.f32 v6, v10  }
.LBB2_4:
0x36: {  	p0 =	sne.s32 s22, $0x1FC0;
	v22 =	vld [tilespmem:s21+$0x0];
	v23 =	vmin.f32 v15, v19;
	v15 =	vmax.f32 v15, v19;
	v8 =	vmax.f32 v8, v21  }
0x37: {  	v24 =	vmin.f32 v11, v20;
	v11 =	vmax.f32 v11, v20;
	v21 =	vld [tilespmem:s21+$0xFFFFFFE0];
	v14 =	vmax.f32 v14, v23  }
.Ltmp1:
0x38: {  	v1 =	vmax.f32 v1, v7;
	v16 =	vmax.f32 v16, v24;
	v20 =	vmin.f32 v18, v23;
	v19 =	vld [tilespmem:s21+$0xFFFFFFF0];
	v18 =	vmovc v14;
	(pc) =	sbr.rel @p0 .LBB2_4-.Ltmp1, $4  }
0x39: {  	v2 =	vmax.f32 v2, v17;
	v5 =	vmax.f32 v5, v20;
	v17 =	vmin.f32 v1, v4;
	v7 =	vmovc v4  }
0x3a: {  	s23 =	sand.u32 $0x1FC0, s22;
	v9 =	vmax.f32 v9, v3;
	v20 =	vmin.f32 v2, v17  }
0x3b: {  	v6 =	vmax.f32 v6, v10;
	v4 =	vld [tilespmem:s23+$0x2000];
	v12 =	vmax.f32 v12, v20;
	v10 =	vmin.f32 v9, v22;
	v3 =	vmovc v22  }
0x3c: {  	s22 =	sadd.s32 $0x40, s22;
	s21 =	sadd.s32 $0x40, s21;
	v20 =	vmin.f32 v13, v21;
	v13 =	vmax.f32 v13, v21;
	v21 =	vmin.f32 v6, v10  }
0x3d: {  	v22 =	vld [tilespmem:s21+$0x0];
	v23 =	vmin.f32 v15, v19  }
0x3e: {  	v24 =	vld [tilespmem:s21+$0xFFFFFFE0];
	v15 =	vmax.f32 v15, v19;
	v19 =	vmax.f32 v8, v21;
	v8 =	vmin.f32 v11, v20  }
0x3f: {  	v21 =	vld [tilespmem:s21+$0xFFFFFFF0];
	v11 =	vmax.f32 v11, v20;
	v7 =	vmax.f32 v1, v7;
	_ =	swait.ge [sflag:s16], $0x2000;
	v2 =	vmax.f32 v2, v17  }
0x40: {  	s29 =	simm.s32 $0x0;
	v27 =	vmax.f32 v6, v10;
	v20 =	vmax.f32 v14, v23;
	v25 =	vmax.f32 v16, v8;
	[sflag:s16] =	ssyncset.done $0x0  }
0x41: {  	v1 =	vmin.f32 v18, v23;
	v18 =	vmax.f32 v9, v3;
	s21 =	sand.u32 $0x1FC0, s29;
	[sflag:s16] =	ssyncadd.s32 $0xFFFFE000;
	v26 =	vmin.f32 v7, v4  }
0x42: {  	v3 =	vmax.f32 v5, v1;
	v5 =	vld [tilespmem:s21+$0x4000];
	v16 =	vmax.f32 v7, v4;
	v8 =	vmin.f32 v2, v26  }
0x43: {  	s30 =	simm.s32 $0x4030;
	v12 =	vmax.f32 v12, v8;
	v23 =	vmin.f32 v18, v22;
	v6 =	vmin.f32 v13, v24  }
0x44: {  	v1 =	vld [tilespmem:s30+$0x0];
	v13 =	vmax.f32 v13, v24;
	v17 =	vmin.f32 v15, v21;
	v8 =	vmax.f32 v15, v21  }
0x45: {  	v21 =	vld [tilespmem:s30+$0xFFFFFFE0];
	v9 =	vmin.f32 v27, v23;
	v10 =	vmin.f32 v11, v6;
	v15 =	vmax.f32 v20, v17  }
0x46: {  	v4 =	vmin.f32 v20, v17;
	v14 =	vmax.f32 v19, v9;
	v9 =	vmax.f32 v11, v6;
	v19 =	vld [tilespmem:s30+$0xFFFFFFF0]  }
0x47: {  	s22 =	simm.s32 $0x40;
	v10 =	vmax.f32 v25, v10;
	v11 =	vmax.f32 v2, v26;
	v17 =	vmin.f32 v16, v5  }
0x48: {  	s31 =	sand.u32 $0x1FC0, s22;
	v3 =	vmax.f32 v3, v4;
	v6 =	vmax.f32 v18, v22;
	v2 =	vmin.f32 v11, v17  }
0x49: {  	v4 =	vmax.f32 v27, v23;
	v7 =	vmin.f32 v6, v1;
	v12 =	vmax.f32 v12, v2;
	v2 =	vld [tilespmem:s31+$0x4000]  }
0x4a: {  	s22 =	simm.s32 $0x80;
	s21 =	simm.s32 $0x4070;
	v18 =	vmovc v15;
	v20 =	vmin.f32 v13, v21;
	v13 =	vmax.f32 v13, v21;
	v21 =	vmin.f32 v4, v7  }
.LBB2_6:
0x4b: {  	p0 =	sne.s32 s22, $0x1FC0;
	v22 =	vld [tilespmem:s21+$0x0];
	v23 =	vmin.f32 v8, v19;
	v8 =	vmax.f32 v8, v19;
	v14 =	vmax.f32 v14, v21  }
0x4c: {  	v24 =	vmin.f32 v9, v20;
	v9 =	vmax.f32 v9, v20;
	v21 =	vld [tilespmem:s21+$0xFFFFFFE0];
	v15 =	vmax.f32 v15, v23  }
.Ltmp2:
0x4d: {  	v16 =	vmax.f32 v16, v5;
	v10 =	vmax.f32 v10, v24;
	v20 =	vmin.f32 v18, v23;
	v19 =	vld [tilespmem:s21+$0xFFFFFFF0];
	v18 =	vmovc v15;
	(pc) =	sbr.rel @p0 .LBB2_6-.Ltmp2, $4  }
0x4e: {  	v11 =	vmax.f32 v11, v17;
	v3 =	vmax.f32 v3, v20;
	v17 =	vmin.f32 v16, v2;
	v5 =	vmovc v2  }
0x4f: {  	s23 =	sand.u32 $0x1FC0, s22;
	v6 =	vmax.f32 v6, v1;
	v20 =	vmin.f32 v11, v17  }
0x50: {  	v4 =	vmax.f32 v4, v7;
	v2 =	vld [tilespmem:s23+$0x4000];
	v12 =	vmax.f32 v12, v20;
	v7 =	vmin.f32 v6, v22;
	v1 =	vmovc v22  }
0x51: {  	s22 =	sadd.s32 $0x40, s22;
	s21 =	sadd.s32 $0x40, s21;
	v20 =	vmin.f32 v13, v21;
	v13 =	vmax.f32 v13, v21;
	v21 =	vmin.f32 v4, v7  }
0x52: {  	v22 =	vld [tilespmem:s21+$0x0];
	v23 =	vmin.f32 v8, v19  }
0x53: {  	v24 =	vld [tilespmem:s21+$0xFFFFFFE0];
	v19 =	vmax.f32 v8, v19;
	v14 =	vmax.f32 v14, v21;
	v8 =	vmin.f32 v9, v20  }
0x54: {  	v21 =	vld [tilespmem:s21+$0xFFFFFFF0];
	v9 =	vmax.f32 v9, v20;
	v5 =	vmax.f32 v16, v5;
	_ =	swait.ge [sflag:s17], $0x2000;
	v17 =	vmax.f32 v11, v17  }
0x55: {  	s29 =	simm.s32 $0x0;
	v1 =	vmax.f32 v6, v1;
	v4 =	vmax.f32 v4, v7;
	v20 =	vmax.f32 v15, v23;
	[sflag:s17] =	ssyncset.done $0x0  }
0x56: {  	v16 =	vmax.f32 v10, v8;
	v8 =	vmin.f32 v18, v23;
	s21 =	sand.u32 $0x1FC0, s29;
	[sflag:s17] =	ssyncadd.s32 $0xFFFFE000;
	v25 =	vmin.f32 v5, v2  }
0x57: {  	v18 =	vmax.f32 v3, v8;
	v8 =	vld [tilespmem:s21+$0x6000];
	v11 =	vmax.f32 v5, v2;
	v10 =	vmin.f32 v17, v25  }
0x58: {  	s30 =	simm.s32 $0x6030;
	v2 =	vmax.f32 v17, v25;
	v23 =	vmax.f32 v12, v10;
	v26 =	vmin.f32 v1, v22  }
0x59: {  	v6 =	vld [tilespmem:s30+$0x0];
	v3 =	vmin.f32 v13, v24;
	v24 =	vmax.f32 v13, v24;
	v27 =	vmin.f32 v19, v21  }
0x5a: {  	v10 =	vmax.f32 v19, v21;
	v21 =	vld [tilespmem:s30+$0xFFFFFFE0];
	v7 =	vmin.f32 v4, v26;
	v15 =	vmax.f32 v20, v27  }
0x5b: {  	v19 =	vld [tilespmem:s30+$0xFFFFFFF0];
	v5 =	vmin.f32 v20, v27;
	v4 =	vmax.f32 v4, v26;
	v13 =	vmax.f32 v14, v7  }
0x5c: {  	s22 =	simm.s32 $0x40;
	v7 =	vmin.f32 v9, v3;
	v14 =	vmax.f32 v9, v3;
	v3 =	vmin.f32 v11, v8  }
0x5d: {  	s31 =	sand.u32 $0x1FC0, s22;
	v9 =	vmax.f32 v1, v22;
	v12 =	vmax.f32 v16, v7;
	v1 =	vmin.f32 v2, v3  }
0x5e: {  	v16 =	vmax.f32 v18, v5;
	v7 =	vmin.f32 v9, v6;
	v5 =	vld [tilespmem:s31+$0x6000];
	v1 =	vmax.f32 v23, v1  }
0x5f: {  	s22 =	simm.s32 $0x80;
	s21 =	simm.s32 $0x6070;
	v18 =	vmovc v15;
	v20 =	vmin.f32 v24, v21;
	v17 =	vmax.f32 v24, v21;
	v21 =	vmin.f32 v4, v7  }
.LBB2_8:
0x60: {  	p0 =	sne.s32 s22, $0x1FC0;
	v22 =	vld [tilespmem:s21+$0x0];
	v23 =	vmin.f32 v10, v19;
	v10 =	vmax.f32 v10, v19;
	v13 =	vmax.f32 v13, v21  }
0x61: {  	v24 =	vmin.f32 v14, v20;
	v14 =	vmax.f32 v14, v20;
	v21 =	vld [tilespmem:s21+$0xFFFFFFE0];
	v15 =	vmax.f32 v15, v23  }
.Ltmp3:
0x62: {  	v11 =	vmax.f32 v11, v8;
	v12 =	vmax.f32 v12, v24;
	v20 =	vmin.f32 v18, v23;
	v19 =	vld [tilespmem:s21+$0xFFFFFFF0];
	v18 =	vmovc v15;
	(pc) =	sbr.rel @p0 .LBB2_8-.Ltmp3, $4  }
0x63: {  	v2 =	vmax.f32 v2, v3;
	v16 =	vmax.f32 v16, v20;
	v3 =	vmin.f32 v11, v5;
	v8 =	vmovc v5  }
0x64: {  	s23 =	sand.u32 $0x1FC0, s22;
	v9 =	vmax.f32 v9, v6;
	v20 =	vmin.f32 v2, v3  }
0x65: {  	v4 =	vmax.f32 v4, v7;
	v5 =	vld [tilespmem:s23+$0x6000];
	v1 =	vmax.f32 v1, v20;
	v7 =	vmin.f32 v9, v22;
	v6 =	vmovc v22  }
0x66: {  	s22 =	sadd.s32 $0x40, s22;
	s21 =	sadd.s32 $0x40, s21;
	v20 =	vmin.f32 v17, v21;
	v17 =	vmax.f32 v17, v21;
	v21 =	vmin.f32 v4, v7  }
0x67: {  	v22 =	vld [tilespmem:s21+$0xFFFFFFE0]  }
0x68: {  	v23 =	vmin.f32 v10, v19  }
0x69: {  	v33 =	vmax.f32 v10, v19;
	v13 =	vmax.f32 v13, v21;
	v34 =	vmin.f32 v14, v20  }
0x6a: {  	v35 =	vmax.f32 v14, v20;
	v36 =	vld [tilespmem:s21+$0xFFFFFFF0];
	v8 =	vmax.f32 v11, v8;
	v6 =	vmax.f32 v9, v6  }
0x6b: {  	v15 =	vmax.f32 v15, v23;
	v18 =	vmin.f32 v18, v23;
	v37 =	vmax.f32 v12, v34  }
0x6c: {  	v42 =	vmax.f32 v8, v5;
	v40 =	vmin.f32 v17, v22;
	v41 =	vmax.f32 v17, v22  }
0x6d: {  	v39 =	vld [tilespmem:s21+$0x0];
	v43 =	vmin.f32 v35, v40;
	v14 =	vmax.f32 v35, v40;
	v44 =	vmax.f32 v42, v41  }
0x6e: {  	v38 =	vmax.f32 v16, v18;
	v45 =	vmax.f32 v37, v43;
	v46 =	vmax.f32 v44, v14  }
0x6f: {  	v47 =	vmin.f32 v33, v36;
	v10 =	vmax.f32 v33, v36;
	v48 =	vmax.f32 v46, v45  }
0x70: {  	v49 =	vmax.f32 v15, v47;
	v15 =	vmin.f32 v15, v47;
	v50 =	vmax.f32 v48, v10  }
0x71: {  	v4 =	vmax.f32 v4, v7;
	v12 =	vmax.f32 v38, v15;
	v52 =	vmax.f32 v50, v49  }
0x72: {  	v51 =	vmin.f32 v6, v39;
	v6 =	vmax.f32 v6, v39;
	v53 =	vmax.f32 v52, v12  }
0x73: {  	v54 =	vmin.f32 v4, v51;
	v4 =	vmax.f32 v4, v51;
	v55 =	vmax.f32 v53, v6  }
0x74: {  	v13 =	vmax.f32 v13, v54;
	v56 =	vmax.f32 v55, v4  }
0x75: {  	v24 =	vmax.f32 v56, v13  }
0x76: {  	(xrf0) =	vmax.scan.msk.f32 $0xffff, v24;
	_ =	sdelay $0x1  }
0x77: {  	v2 =	vmax.f32 v2, v3;
	v57 =	vmin.f32 v8, v5  }
0x78: {  	v3 =	vmax.f32 v2, v57;
	v58 =	vmin.f32 v42, v41  }
0x79: {  	v17 =	vmax.f32 v3, v58;
	v14 =	vmin.f32 v44, v14  }
0x7a: {  	v18 =	vmax.f32 v17, v14;
	v9 =	vmin.f32 v46, v45  }
0x7b: {  	v11 =	vmax.f32 v18, v9;
	v10 =	vmin.f32 v48, v10;
	v59, _, _ =	vpop (xrf0)  }
0x7c: {  	v20 =	vmax.f32 v11, v10;
	v21 =	vmin.f32 v50, v49;
	v19 =	vbroadcast v59, $0xF  }
0x7d: {  	v22 =	vmax.f32 v20, v21;
	v12 =	vmin.f32 v52, v12  }
0x7e: {  	v15 =	vmax.f32 v22, v12;
	v6 =	vmin.f32 v53, v6;
	vm3 =	veq.f32 v24, v19  }
0x7f: {  	v7 =	vmax.f32 v15, v6;
	v4 =	vmin.f32 v55, v4;
	v60 =	vmctz.xlane vm3  }
0x80: {  	v13 =	vmin.f32 v56, v13;
	v61 =	vmax.f32 v7, v4  }
0x81: {  	v62 =	vmax.f32 v61, v13;
	vm3 =	veq.s32 v60, v0  }
0x82: {  	v24 =	vsel vm3, v62, v24  }
0x83: {  	(xrf0) =	vmax.scan.msk.f32 $0xffff, v24  }
0x84: {  	v2 =	vmin.f32 v2, v57  }
0x85: {  	v1 =	vmax.f32 v1, v2;
	v2 =	vmin.f32 v3, v58  }
0x86: {  	v1 =	vmax.f32 v1, v2;
	v2 =	vmin.f32 v17, v14  }
0x87: {  	v1 =	vmax.f32 v1, v2;
	v2 =	vmin.f32 v18, v9  }
0x88: {  	v1 =	vmax.f32 v1, v2;
	v2 =	vmin.f32 v11, v10  }
0x89: {  	v1 =	vmax.f32 v1, v2;
	v2 =	vmin.f32 v20, v21;
	v3, _, _ =	vpop (xrf0)  }
0x8a: {  	v1 =	vmax.f32 v1, v2;
	v2 =	vmin.f32 v22, v12;
	v3 =	vbroadcast v3, $0xF  }
0x8b: {  	v1 =	vmax.f32 v1, v2;
	v2 =	vmin.f32 v15, v6  }
0x8c: {  	v1 =	vmax.f32 v1, v2;
	v2 =	vmin.f32 v7, v4;
	vm4 =	veq.f32 v24, v3  }
0x8d: {  	v1 =	vmax.f32 v1, v2;
	v2 =	vmin.f32 v61, v13;
	v63 =	vmctz.xlane vm4  }
0x8e: {  	v1 =	vmax.f32 v1, v2  }
0x8f: {  	v1 =	vsel vm3, v1, v62;
	vm3 =	veq.s32 v63, v0  }
0x90: {  	v1 =	vsel vm3, v1, v24  }
0x91: {  	(xrf0) =	vmax.scan.msk.f32 $0xffff, v1;
	_ =	sdelay $0x5  }
0x92: {  	v1, _, _ =	vpop (xrf0)  }
0x93: {  	v1 =	vbroadcast v1, $0xF;
	_ =	sdelay $0x1  }
0x94: {  	v1 =	vnsel vm0, $0x0, v1  }
0x95: {  	s20 =	sadd.s32 $0x1, s20;
	v1 =	vsel vm1, v1, v3  }
0x96: {  	p0 =	sne.s32 s20, s8;
	v1 =	vsel vm2, v1, v19  }
.Ltmp4:
0x97: {  	[tilespmem:$0x8000] =	vst v1;
	(pc) =	sbr.rel @p0 .LBB2_1-.Ltmp4, $4  }
0x98: {  	[hbm4b:s7+s2] =	stream.linear.scatter [tilespmem:s18], [sflag:$0x5], $0x8, $0x38;
	[tilespmem:$0x8080] =	vst v63  }
0x99: {  	_ =	swait.ge [sflag:s19], $0x8  }
0x9a: {  	[sflag:s19] =	ssyncset.done $0x0  }
0x9b: {  	[sflag:s19] =	ssyncadd.s32 $0xFFFFFFF8  }
0x9c: {  	_ =	sfence.sel $0x180000  }
0x9d: {  	[bflag:$0x0] =	sbarrier.arrive $0xFFFF  }
0x9e: {  	p0 =	sne.s32 s0, $0x0;
	_ =	strace $0x90000047  }
0x9f: {  	s0 =	sadd.s32 @!p0 $0x100000, s1;
	[bflag:$0x2] =	sbarrier.arrive $0xFFFF  }
0xa0: {  	[sflag:s0] =	ssyncadd.tile.s32 @!p0 $0x1;
	_ =	shalt  }
.Lfunc_end2:
_tile_overlayer_lowered:
.L_overlay_start_2:
0xa1: {  	(tag) =	ssettag $0x2  }
0xa2: {  	s0 =	rddreg [dreg:$0x0];
	s2 =	stileid.u32  }
0xa3: {  	s1 =	rddreg [dreg:$0x1];
	p0 =	sne.s32 s2, $0x0  }
0xa4: {  	s3 =	rddreg [dreg:$0x2];
	[bflag:$0x3] =	sbarrier.arrive $0xFFFF;
	s2 =	simm.s32 @!p0 $0x1C05  }
0xa5: {  	[timem:s3], [sflag:s2] =	dma.local @!p0 [hbm:s0], s1  }
0xa6: {  	s0 =	simm.s32 @!p0 $0x5  }
0xa7: {  	_ =	swait.ge @!p0 [sflag:s0], s1  }
0xa8: {  	s1 =	ssub.s32 @!p0 $0x0, s1;
	[sflag:s0] =	ssyncset.done @!p0 $0x0  }
0xa9: {  	[sflag:s0] =	ssyncadd.s32 @!p0 s1  }
0xaa: {  	[bflag:$0x3] =	sbarrier.arrive $0xFFFF  }
0xab: {  	_ =	shalt  }

</sc_bundles>
